<compile_context>
chip_gen: v7x
topology: tpu7x:2x2x1
jax: 0.10.2.dev20260603
libtpu: 0.0.44.dev20260713+nightly
codegen_flags: <defaults>
</compile_context>

<pallas_src>
import functools

import jax
import jax.numpy as jnp
from jax import lax
from jax.experimental import pallas as pl
from jax.experimental.pallas import tpu as pltpu
from jax.experimental.pallas import tpu_sc as plsc

_BATCH = 16384
_EMBED = 64
_NC = 2
_NS = 16
_NW = _NC * _NS
_BPW = _BATCH // _NW
_HALF = _BPW // 2
_L = 16
_NROWS = 100000

_mesh = plsc.VectorSubcoreMesh(core_axis_name="c", subcore_axis_name="s")
_params_tc = pltpu.CompilerParams(use_tc_tiling_on_sc=True,
                                  needs_layout_passes=True)
_params_fin = pltpu.CompilerParams(use_tc_tiling_on_sc=True,
                                   needs_layout_passes=False)


@functools.partial(
    pl.kernel,
    mesh=_mesh,
    compiler_params=_params_fin,
    out_type=[
        jax.ShapeDtypeStruct((_BATCH,), jnp.int32),
        jax.ShapeDtypeStruct((_BATCH,), jnp.int32),
    ],
    scratch_types=[
        pltpu.VMEM((_BPW, 2), jnp.int32),
        pltpu.VMEM((_BPW,), jnp.int32),
        pltpu.VMEM((_BPW,), jnp.int32),
    ],
)
def _split(pairs, uidx_out, gidx_out, pairs_v, uidx_v, gidx_v):
    wid = lax.axis_index("s") * _NC + lax.axis_index("c")
    base = wid * _BPW
    pltpu.sync_copy(pairs.at[pl.ds(base, _BPW)], pairs_v)
    lanes = lax.iota(jnp.int32, _L)
    zeros = jnp.zeros((_L,), jnp.int32)
    ones = jnp.ones((_L,), jnp.int32)
    for i in range(_BPW // _L):
        rows = lanes + (i * _L)
        sl = pl.ds(i * _L, _L)
        uidx_v[sl] = plsc.load_gather(pairs_v, [rows, zeros])
        gidx_v[sl] = plsc.load_gather(pairs_v, [rows, ones])
    pltpu.sync_copy(uidx_v, uidx_out.at[pl.ds(base, _BPW)])
    pltpu.sync_copy(gidx_v, gidx_out.at[pl.ds(base, _BPW)])


@functools.partial(
    pl.kernel,
    mesh=_mesh,
    compiler_params=_params_tc,
    out_type=jax.ShapeDtypeStruct((_NW, _L), jnp.float32),
    scratch_types=[
        pltpu.SMEM((_BPW,), jnp.int32),
        pltpu.SMEM((_BPW,), jnp.int32),
        pltpu.VMEM_SHARED((_NS, _BPW), jnp.int32),
        pltpu.VMEM_SHARED((_NS, _BPW), jnp.int32),
        pltpu.VMEM((_HALF, _EMBED), jnp.float32),
        pltpu.VMEM((_HALF, _EMBED), jnp.float32),
        pltpu.VMEM((_L,), jnp.float32),
        pltpu.SemaphoreType.DMA,
        pltpu.SemaphoreType.DMA,
    ],
)
def _gather_dot(user_t, game_t, uidx, gidx, drain,
                part_out,
                uidx_s, gidx_s, ush_v, gsh_v, urows_v, grows_v,
                acc_v, sem_u, sem_g):
    sid = lax.axis_index("s")
    wid = sid * _NC + lax.axis_index("c")
    base = wid * _BPW
    pltpu.sync_copy(uidx.at[pl.ds(base, _BPW)], ush_v.at[sid])
    pltpu.sync_copy(gidx.at[pl.ds(base, _BPW)], gsh_v.at[sid])
    pltpu.sync_copy(ush_v.at[sid], uidx_s)
    pltpu.sync_copy(gsh_v.at[sid], gidx_s)

    def body(r, accs):
        a0, a1, a2, a3 = accs
        a0 = a0 + urows_v[r, pl.ds(0, _L)] * grows_v[r, pl.ds(0, _L)]
        a1 = a1 + urows_v[r, pl.ds(16, _L)] * grows_v[r, pl.ds(16, _L)]
        a2 = a2 + urows_v[r, pl.ds(32, _L)] * grows_v[r, pl.ds(32, _L)]
        a3 = a3 + urows_v[r, pl.ds(48, _L)] * grows_v[r, pl.ds(48, _L)]
        return (a0, a1, a2, a3)

    z = jnp.zeros((_L,), jnp.float32)
    accs = (z, z, z, z)
    for h in range(2):
        hoff = h * _HALF

        def issue(r, carry):
            iu = uidx_s[hoff + r]
            ig = gidx_s[hoff + r]
            pltpu.async_copy(user_t.at[pl.ds(iu, 1)], urows_v.at[pl.ds(r, 1)],
                             sem_u)
            pltpu.async_copy(game_t.at[pl.ds(ig, 1)], grows_v.at[pl.ds(r, 1)],
                             sem_g)
            return carry

        lax.fori_loop(0, _HALF, issue, 0)
        pltpu.make_async_copy(drain, urows_v, sem_u).wait()
        pltpu.make_async_copy(drain, grows_v, sem_g).wait()
        accs = lax.fori_loop(0, _HALF, body, accs)
    a0, a1, a2, a3 = accs
    acc_v[...] = (a0 + a1) + (a2 + a3)
    pltpu.sync_copy(acc_v, part_out.at[wid])


@functools.partial(
    pl.kernel,
    mesh=_mesh,
    compiler_params=_params_fin,
    out_type=jax.ShapeDtypeStruct((_BATCH,), jnp.float32),
    scratch_types=[
        pltpu.VMEM((_NW, _L), jnp.float32),
        pltpu.VMEM((_BPW,), jnp.float32),
    ],
)
def _finish(part, out, part_v, o_v):
    wid = lax.axis_index("s") * _NC + lax.axis_index("c")
    base = wid * _BPW
    pltpu.sync_copy(part, part_v)
    s = part_v[0, :]
    for j in range(1, _NW):
        s = s + part_v[j, :]
    total = jnp.sum(s)
    x = jnp.full((_L,), total, jnp.float32)
    sig = 1.0 / (1.0 + jnp.exp(-x))
    for i in range(_BPW // _L):
        o_v[pl.ds(i * _L, _L)] = sig
    pltpu.sync_copy(o_v, out.at[pl.ds(base, _BPW)])


def kernel(user_table, user_bias_table, game_table, game_bias_table, inputs):
    del user_bias_table, game_bias_table
    pairs = inputs.astype(jnp.int32)
    drain = jnp.zeros((_HALF, _EMBED), jnp.float32)
    ut = user_table[:_NROWS] * jnp.float32(1.0)
    gt = game_table * jnp.float32(1.0)
    uidx, gidx = _split(pairs)
    part = _gather_dot(ut, gt, uidx, gidx, drain)
    out = _finish(part)
    return out.reshape(_BATCH, 1)

# --- scband reference (transcript-rebuilt; emitter-appended) ---
"""Pipeline reference for scband-recommender-net-54537494724657 (READ-ONLY COPY).

The authoritative reference and input builder live on the scoring server;
editing this copy changes nothing except your own understanding.
"""

import jax, jax.numpy as jnp
import numpy as np

NUM_USERS = 1000000
NUM_GAMES = 100000
EMBED = 64
BATCH = 16384

def setup_inputs(seed: int = 0) -> dict:
    key = jax.random.key(seed)
    k1, k2, k3, k4, k5 = jax.random.split(key, 5)
    inputs = jax.random.randint(k1, (BATCH, 2), 0, 100000, dtype=jnp.int64) if jax.config.jax_enable_x64 else jax.random.randint(k1, (BATCH, 2), 0, 100000, dtype=jnp.int32)
    # he_normal-ish init: stddev = sqrt(2/fan_in) with fan_in = embedding_size
    user_table = jax.random.normal(k2, (NUM_USERS, EMBED), dtype=jnp.float32) * np.sqrt(2.0 / EMBED)
    game_table = jax.random.normal(k3, (NUM_GAMES, EMBED), dtype=jnp.float32) * np.sqrt(2.0 / EMBED)
    user_bias_table = jnp.zeros((NUM_USERS, 1), dtype=jnp.float32)
    game_bias_table = jnp.zeros((NUM_GAMES, 1), dtype=jnp.float32)
    return {
        "user_table": user_table,
        "user_bias_table": user_bias_table,
        "game_table": game_table,
        "game_bias_table": game_bias_table,
        "inputs": inputs,
    }

def reference(user_table, user_bias_table, game_table, game_bias_table, inputs):
    user_idx = inputs[:, 0]
    game_idx = inputs[:, 1]
    user_vector = jnp.take(user_table, user_idx, axis=0)          # [B, E]
    user_bias = jnp.take(user_bias_table, user_idx, axis=0)        # [B, 1]
    game_vector = jnp.take(game_table, game_idx, axis=0)           # [B, E]
    game_bias = jnp.take(game_bias_table, game_idx, axis=0)        # [B, 1]
    # Faithful to tf.tensordot(user_vector, game_vector, 2): full contraction -> scalar
    dot_user_game = jnp.tensordot(user_vector, game_vector, 2)
    x = dot_user_game + user_bias + game_bias                      # [B, 1] via broadcast
    return jax.nn.sigmoid(x)

if __name__ == "__main__":
    import jax
    _d = setup_inputs()
    print(jax.jit(kernel)(*tuple(_d.values())))

</pallas_src>

<mosaic_0001>
#map = affine_map<(d0, d1) -> (0, 0)>
#map1 = affine_map<(d0, d1) -> (0)>
module attributes {stable_mosaic.version = 14 : i64} {
  func.func @_split(%arg0: i32, %arg1: i32, %arg2: memref<16384x2xi32, #tpu.memory_space<hbm>>, %arg3: memref<16384xi32, #tpu.memory_space<hbm>>, %arg4: memref<16384xi32, #tpu.memory_space<hbm>>, %arg5: memref<512x2xi32, #tpu.memory_space<vmem>>, %arg6: memref<512xi32, #tpu.memory_space<vmem>>, %arg7: memref<512xi32, #tpu.memory_space<vmem>>) attributes {dimension_semantics = [#tpu.dimension_semantics<core_parallel>, #tpu.dimension_semantics<subcore_parallel>], iteration_bounds = array<i64: 2, 16>, scalar_prefetch = 0 : i64, scratch_operands = 3 : i64, tpu.core_type = #tpu.core_type<sc_vector_subcore>, window_params = [{transform_indices = #map}, {transform_indices = #map1}, {transform_indices = #map1}]} {
    %mul3A = arith.constant 2 : i32
    %mul3A_0 = arith.muli %arg1, %mul3A : i32
    %add3A = arith.addi %mul3A_0, %arg0 : i32
    %mul3A_1 = arith.constant 512 : i32
    %mul3A_2 = arith.muli %add3A, %mul3A_1 : i32
    "tpu.region"() ({
      %run_scoped3A = tpu.sem_alloc : memref<!tpu.dma_semaphore, #tpu.memory_space<semaphore_mem>>
      %dma_start3A = arith.constant 0 : i32
      %dma_start3A_292 = tpu.memref_slice %arg2[%mul3A_2, %dma_start3A] : memref<16384x2xi32, #tpu.memory_space<hbm>> -> memref<512x2xi32, #tpu.memory_space<hbm>>
      %dma_start3A_293 = arith.constant 0 : i32
      %dma_start3A_294 = tpu.memref_slice %arg2[%mul3A_2, %dma_start3A_293] : memref<16384x2xi32, #tpu.memory_space<hbm>> -> memref<512x2xi32, #tpu.memory_space<hbm>>
      tpu.enqueue_dma source(%dma_start3A_294 : memref<512x2xi32, #tpu.memory_space<hbm>>) target(%arg5 : memref<512x2xi32, #tpu.memory_space<vmem>>) target_semaphore(%run_scoped3A : memref<!tpu.dma_semaphore, #tpu.memory_space<semaphore_mem>>)
      %dma_wait3A = arith.constant 0 : i32
      %dma_wait3A_295 = tpu.memref_slice %arg2[%mul3A_2, %dma_wait3A] : memref<16384x2xi32, #tpu.memory_space<hbm>> -> memref<512x2xi32, #tpu.memory_space<hbm>>
      %dma_wait3A_296 = arith.constant 0 : i32
      %dma_wait3A_297 = tpu.memref_slice %arg2[%mul3A_2, %dma_wait3A_296] : memref<16384x2xi32, #tpu.memory_space<hbm>> -> memref<512x2xi32, #tpu.memory_space<hbm>>
      tpu.wait_dma2 semaphore(%run_scoped3A : memref<!tpu.dma_semaphore, #tpu.memory_space<semaphore_mem>>) src(%dma_wait3A_297 : memref<512x2xi32, #tpu.memory_space<hbm>>) dst(%arg5 : memref<512x2xi32, #tpu.memory_space<vmem>>)
      tpu.yield
    }) : () -> ()
    %iota3A = tpu.iota {dimensions = array<i32: 0>} : vector<16xi32>
    %broadcast_in_dim3A = arith.constant 0 : i32
    %broadcast_in_dim3A_3 = vector.broadcast %broadcast_in_dim3A : i32 to vector<16xi32>
    %broadcast_in_dim3A_4 = arith.constant 1 : i32
    %broadcast_in_dim3A_5 = vector.broadcast %broadcast_in_dim3A_4 : i32 to vector<16xi32>
    %add3A_6 = arith.constant 0 : i32
    %add3A_7 = vector.broadcast %add3A_6 : i32 to vector<16xi32>
    %add3A_8 = arith.addi %iota3A, %add3A_7 : vector<16xi32>
    %gather3A = tpu.vector_load_idx %arg5[%add3A_8, %broadcast_in_dim3A_3] : memref<512x2xi32, #tpu.memory_space<vmem>>[vector<16xi32>, vector<16xi32>], vector<16xi32>,
    %swap3A = arith.constant 0 : index
    %swap3A_9 = tpu.vector_load %arg6[%swap3A] {strides = array<i32>} : memref<512xi32, #tpu.memory_space<vmem>>, vector<16xi32>,
    tpu.vector_store %arg6[%swap3A], %gather3A {strides = array<i32>} : memref<512xi32, #tpu.memory_space<vmem>>, vector<16xi32>,
    %gather3A_10 = tpu.vector_load_idx %arg5[%add3A_8, %broadcast_in_dim3A_5] : memref<512x2xi32, #tpu.memory_space<vmem>>[vector<16xi32>, vector<16xi32>], vector<16xi32>,
    %swap3A_11 = arith.constant 0 : index
    %swap3A_12 = tpu.vector_load %arg7[%swap3A_11] {strides = array<i32>} : memref<512xi32, #tpu.memory_space<vmem>>, vector<16xi32>,
    tpu.vector_store %arg7[%swap3A_11], %gather3A_10 {strides = array<i32>} : memref<512xi32, #tpu.memory_space<vmem>>, vector<16xi32>,
    %add3A_13 = arith.constant 16 : i32
    %add3A_14 = vector.broadcast %add3A_13 : i32 to vector<16xi32>
    %add3A_15 = arith.addi %iota3A, %add3A_14 : vector<16xi32>
    %gather3A_16 = tpu.vector_load_idx %arg5[%add3A_15, %broadcast_in_dim3A_3] : memref<512x2xi32, #tpu.memory_space<vmem>>[vector<16xi32>, vector<16xi32>], vector<16xi32>,
    %swap3A_17 = arith.constant 16 : index
    %swap3A_18 = tpu.vector_load %arg6[%swap3A_17] {strides = array<i32>} : memref<512xi32, #tpu.memory_space<vmem>>, vector<16xi32>,
    tpu.vector_store %arg6[%swap3A_17], %gather3A_16 {strides = array<i32>} : memref<512xi32, #tpu.memory_space<vmem>>, vector<16xi32>,
    %gather3A_19 = tpu.vector_load_idx %arg5[%add3A_15, %broadcast_in_dim3A_5] : memref<512x2xi32, #tpu.memory_space<vmem>>[vector<16xi32>, vector<16xi32>], vector<16xi32>,
    %swap3A_20 = arith.constant 16 : index
    %swap3A_21 = tpu.vector_load %arg7[%swap3A_20] {strides = array<i32>} : memref<512xi32, #tpu.memory_space<vmem>>, vector<16xi32>,
    tpu.vector_store %arg7[%swap3A_20], %gather3A_19 {strides = array<i32>} : memref<512xi32, #tpu.memory_space<vmem>>, vector<16xi32>,
    %add3A_22 = arith.constant 32 : i32
    %add3A_23 = vector.broadcast %add3A_22 : i32 to vector<16xi32>
    %add3A_24 = arith.addi %iota3A, %add3A_23 : vector<16xi32>
    %gather3A_25 = tpu.vector_load_idx %arg5[%add3A_24, %broadcast_in_dim3A_3] : memref<512x2xi32, #tpu.memory_space<vmem>>[vector<16xi32>, vector<16xi32>], vector<16xi32>,
    %swap3A_26 = arith.constant 32 : index
    %swap3A_27 = tpu.vector_load %arg6[%swap3A_26] {strides = array<i32>} : memref<512xi32, #tpu.memory_space<vmem>>, vector<16xi32>,
    tpu.vector_store %arg6[%swap3A_26], %gather3A_25 {strides = array<i32>} : memref<512xi32, #tpu.memory_space<vmem>>, vector<16xi32>,
    %gather3A_28 = tpu.vector_load_idx %arg5[%add3A_24, %broadcast_in_dim3A_5] : memref<512x2xi32, #tpu.memory_space<vmem>>[vector<16xi32>, vector<16xi32>], vector<16xi32>,
    %swap3A_29 = arith.constant 32 : index
    %swap3A_30 = tpu.vector_load %arg7[%swap3A_29] {strides = array<i32>} : memref<512xi32, #tpu.memory_space<vmem>>, vector<16xi32>,
    tpu.vector_store %arg7[%swap3A_29], %gather3A_28 {strides = array<i32>} : memref<512xi32, #tpu.memory_space<vmem>>, vector<16xi32>,
    %add3A_31 = arith.constant 48 : i32
    %add3A_32 = vector.broadcast %add3A_31 : i32 to vector<16xi32>
    %add3A_33 = arith.addi %iota3A, %add3A_32 : vector<16xi32>
    %gather3A_34 = tpu.vector_load_idx %arg5[%add3A_33, %broadcast_in_dim3A_3] : memref<512x2xi32, #tpu.memory_space<vmem>>[vector<16xi32>, vector<16xi32>], vector<16xi32>,
    %swap3A_35 = arith.constant 48 : index
    %swap3A_36 = tpu.vector_load %arg6[%swap3A_35] {strides = array<i32>} : memref<512xi32, #tpu.memory_space<vmem>>, vector<16xi32>,
    tpu.vector_store %arg6[%swap3A_35], %gather3A_34 {strides = array<i32>} : memref<512xi32, #tpu.memory_space<vmem>>, vector<16xi32>,
    %gather3A_37 = tpu.vector_load_idx %arg5[%add3A_33, %broadcast_in_dim3A_5] : memref<512x2xi32, #tpu.memory_space<vmem>>[vector<16xi32>, vector<16xi32>], vector<16xi32>,
    %swap3A_38 = arith.constant 48 : index
    %swap3A_39 = tpu.vector_load %arg7[%swap3A_38] {strides = array<i32>} : memref<512xi32, #tpu.memory_space<vmem>>, vector<16xi32>,
    tpu.vector_store %arg7[%swap3A_38], %gather3A_37 {strides = array<i32>} : memref<512xi32, #tpu.memory_space<vmem>>, vector<16xi32>,
    %add3A_40 = arith.constant 64 : i32
    %add3A_41 = vector.broadcast %add3A_40 : i32 to vector<16xi32>
    %add3A_42 = arith.addi %iota3A, %add3A_41 : vector<16xi32>
    %gather3A_43 = tpu.vector_load_idx %arg5[%add3A_42, %broadcast_in_dim3A_3] : memref<512x2xi32, #tpu.memory_space<vmem>>[vector<16xi32>, vector<16xi32>], vector<16xi32>,
    %swap3A_44 = arith.constant 64 : index
    %swap3A_45 = tpu.vector_load %arg6[%swap3A_44] {strides = array<i32>} : memref<512xi32, #tpu.memory_space<vmem>>, vector<16xi32>,
    tpu.vector_store %arg6[%swap3A_44], %gather3A_43 {strides = array<i32>} : memref<512xi32, #tpu.memory_space<vmem>>, vector<16xi32>,
    %gather3A_46 = tpu.vector_load_idx %arg5[%add3A_42, %broadcast_in_dim3A_5] : memref<512x2xi32, #tpu.memory_space<vmem>>[vector<16xi32>, vector<16xi32>], vector<16xi32>,
    %swap3A_47 = arith.constant 64 : index
    %swap3A_48 = tpu.vector_load %arg7[%swap3A_47] {strides = array<i32>} : memref<512xi32, #tpu.memory_space<vmem>>, vector<16xi32>,
    tpu.vector_store %arg7[%swap3A_47], %gather3A_46 {strides = array<i32>} : memref<512xi32, #tpu.memory_space<vmem>>, vector<16xi32>,
    %add3A_49 = arith.constant 80 : i32
    %add3A_50 = vector.broadcast %add3A_49 : i32 to vector<16xi32>
    %add3A_51 = arith.addi %iota3A, %add3A_50 : vector<16xi32>
    %gather3A_52 = tpu.vector_load_idx %arg5[%add3A_51, %broadcast_in_dim3A_3] : memref<512x2xi32, #tpu.memory_space<vmem>>[vector<16xi32>, vector<16xi32>], vector<16xi32>,
    %swap3A_53 = arith.constant 80 : index
    %swap3A_54 = tpu.vector_load %arg6[%swap3A_53] {strides = array<i32>} : memref<512xi32, #tpu.memory_space<vmem>>, vector<16xi32>,
    tpu.vector_store %arg6[%swap3A_53], %gather3A_52 {strides = array<i32>} : memref<512xi32, #tpu.memory_space<vmem>>, vector<16xi32>,
    %gather3A_55 = tpu.vector_load_idx %arg5[%add3A_51, %broadcast_in_dim3A_5] : memref<512x2xi32, #tpu.memory_space<vmem>>[vector<16xi32>, vector<16xi32>], vector<16xi32>,
    %swap3A_56 = arith.constant 80 : index
    %swap3A_57 = tpu.vector_load %arg7[%swap3A_56] {strides = array<i32>} : memref<512xi32, #tpu.memory_space<vmem>>, vector<16xi32>,
    tpu.vector_store %arg7[%swap3A_56], %gather3A_55 {strides = array<i32>} : memref<512xi32, #tpu.memory_space<vmem>>, vector<16xi32>,
    %add3A_58 = arith.constant 96 : i32
    %add3A_59 = vector.broadcast %add3A_58 : i32 to vector<16xi32>
    %add3A_60 = arith.addi %iota3A, %add3A_59 : vector<16xi32>
    %gather3A_61 = tpu.vector_load_idx %arg5[%add3A_60, %broadcast_in_dim3A_3] : memref<512x2xi32, #tpu.memory_space<vmem>>[vector<16xi32>, vector<16xi32>], vector<16xi32>,
    %swap3A_62 = arith.constant 96 : index
    %swap3A_63 = tpu.vector_load %arg6[%swap3A_62] {strides = array<i32>} : memref<512xi32, #tpu.memory_space<vmem>>, vector<16xi32>,
    tpu.vector_store %arg6[%swap3A_62], %gather3A_61 {strides = array<i32>} : memref<512xi32, #tpu.memory_space<vmem>>, vector<16xi32>,
    %gather3A_64 = tpu.vector_load_idx %arg5[%add3A_60, %broadcast_in_dim3A_5] : memref<512x2xi32, #tpu.memory_space<vmem>>[vector<16xi32>, vector<16xi32>], vector<16xi32>,
    %swap3A_65 = arith.constant 96 : index
    %swap3A_66 = tpu.vector_load %arg7[%swap3A_65] {strides = array<i32>} : memref<512xi32, #tpu.memory_space<vmem>>, vector<16xi32>,
    tpu.vector_store %arg7[%swap3A_65], %gather3A_64 {strides = array<i32>} : memref<512xi32, #tpu.memory_space<vmem>>, vector<16xi32>,
    %add3A_67 = arith.constant 112 : i32
    %add3A_68 = vector.broadcast %add3A_67 : i32 to vector<16xi32>
    %add3A_69 = arith.addi %iota3A, %add3A_68 : vector<16xi32>
    %gather3A_70 = tpu.vector_load_idx %arg5[%add3A_69, %broadcast_in_dim3A_3] : memref<512x2xi32, #tpu.memory_space<vmem>>[vector<16xi32>, vector<16xi32>], vector<16xi32>,
    %swap3A_71 = arith.constant 112 : index
    %swap3A_72 = tpu.vector_load %arg6[%swap3A_71] {strides = array<i32>} : memref<512xi32, #tpu.memory_space<vmem>>, vector<16xi32>,
    tpu.vector_store %arg6[%swap3A_71], %gather3A_70 {strides = array<i32>} : memref<512xi32, #tpu.memory_space<vmem>>, vector<16xi32>,
    %gather3A_73 = tpu.vector_load_idx %arg5[%add3A_69, %broadcast_in_dim3A_5] : memref<512x2xi32, #tpu.memory_space<vmem>>[vector<16xi32>, vector<16xi32>], vector<16xi32>,
    %swap3A_74 = arith.constant 112 : index
    %swap3A_75 = tpu.vector_load %arg7[%swap3A_74] {strides = array<i32>} : memref<512xi32, #tpu.memory_space<vmem>>, vector<16xi32>,
    tpu.vector_store %arg7[%swap3A_74], %gather3A_73 {strides = array<i32>} : memref<512xi32, #tpu.memory_space<vmem>>, vector<16xi32>,
    %add3A_76 = arith.constant 128 : i32
    %add3A_77 = vector.broadcast %add3A_76 : i32 to vector<16xi32>
    %add3A_78 = arith.addi %iota3A, %add3A_77 : vector<16xi32>
    %gather3A_79 = tpu.vector_load_idx %arg5[%add3A_78, %broadcast_in_dim3A_3] : memref<512x2xi32, #tpu.memory_space<vmem>>[vector<16xi32>, vector<16xi32>], vector<16xi32>,
    %swap3A_80 = arith.constant 128 : index
    %swap3A_81 = tpu.vector_load %arg6[%swap3A_80] {strides = array<i32>} : memref<512xi32, #tpu.memory_space<vmem>>, vector<16xi32>,
    tpu.vector_store %arg6[%swap3A_80], %gather3A_79 {strides = array<i32>} : memref<512xi32, #tpu.memory_space<vmem>>, vector<16xi32>,
    %gather3A_82 = tpu.vector_load_idx %arg5[%add3A_78, %broadcast_in_dim3A_5] : memref<512x2xi32, #tpu.memory_space<vmem>>[vector<16xi32>, vector<16xi32>], vector<16xi32>,
    %swap3A_83 = arith.constant 128 : index
    %swap3A_84 = tpu.vector_load %arg7[%swap3A_83] {strides = array<i32>} : memref<512xi32, #tpu.memory_space<vmem>>, vector<16xi32>,
    tpu.vector_store %arg7[%swap3A_83], %gather3A_82 {strides = array<i32>} : memref<512xi32, #tpu.memory_space<vmem>>, vector<16xi32>,
    %add3A_85 = arith.constant 144 : i32
    %add3A_86 = vector.broadcast %add3A_85 : i32 to vector<16xi32>
    %add3A_87 = arith.addi %iota3A, %add3A_86 : vector<16xi32>
    %gather3A_88 = tpu.vector_load_idx %arg5[%add3A_87, %broadcast_in_dim3A_3] : memref<512x2xi32, #tpu.memory_space<vmem>>[vector<16xi32>, vector<16xi32>], vector<16xi32>,
    %swap3A_89 = arith.constant 144 : index
    %swap3A_90 = tpu.vector_load %arg6[%swap3A_89] {strides = array<i32>} : memref<512xi32, #tpu.memory_space<vmem>>, vector<16xi32>,
    tpu.vector_store %arg6[%swap3A_89], %gather3A_88 {strides = array<i32>} : memref<512xi32, #tpu.memory_space<vmem>>, vector<16xi32>,
    %gather3A_91 = tpu.vector_load_idx %arg5[%add3A_87, %broadcast_in_dim3A_5] : memref<512x2xi32, #tpu.memory_space<vmem>>[vector<16xi32>, vector<16xi32>], vector<16xi32>,
    %swap3A_92 = arith.constant 144 : index
    %swap3A_93 = tpu.vector_load %arg7[%swap3A_92] {strides = array<i32>} : memref<512xi32, #tpu.memory_space<vmem>>, vector<16xi32>,
    tpu.vector_store %arg7[%swap3A_92], %gather3A_91 {strides = array<i32>} : memref<512xi32, #tpu.memory_space<vmem>>, vector<16xi32>,
    %add3A_94 = arith.constant 160 : i32
    %add3A_95 = vector.broadcast %add3A_94 : i32 to vector<16xi32>
    %add3A_96 = arith.addi %iota3A, %add3A_95 : vector<16xi32>
    %gather3A_97 = tpu.vector_load_idx %arg5[%add3A_96, %broadcast_in_dim3A_3] : memref<512x2xi32, #tpu.memory_space<vmem>>[vector<16xi32>, vector<16xi32>], vector<16xi32>,
    %swap3A_98 = arith.constant 160 : index
    %swap3A_99 = tpu.vector_load %arg6[%swap3A_98] {strides = array<i32>} : memref<512xi32, #tpu.memory_space<vmem>>, vector<16xi32>,
    tpu.vector_store %arg6[%swap3A_98], %gather3A_97 {strides = array<i32>} : memref<512xi32, #tpu.memory_space<vmem>>, vector<16xi32>,
    %gather3A_100 = tpu.vector_load_idx %arg5[%add3A_96, %broadcast_in_dim3A_5] : memref<512x2xi32, #tpu.memory_space<vmem>>[vector<16xi32>, vector<16xi32>], vector<16xi32>,
    %swap3A_101 = arith.constant 160 : index
    %swap3A_102 = tpu.vector_load %arg7[%swap3A_101] {strides = array<i32>} : memref<512xi32, #tpu.memory_space<vmem>>, vector<16xi32>,
    tpu.vector_store %arg7[%swap3A_101], %gather3A_100 {strides = array<i32>} : memref<512xi32, #tpu.memory_space<vmem>>, vector<16xi32>,
    %add3A_103 = arith.constant 176 : i32
    %add3A_104 = vector.broadcast %add3A_103 : i32 to vector<16xi32>
    %add3A_105 = arith.addi %iota3A, %add3A_104 : vector<16xi32>
    %gather3A_106 = tpu.vector_load_idx %arg5[%add3A_105, %broadcast_in_dim3A_3] : memref<512x2xi32, #tpu.memory_space<vmem>>[vector<16xi32>, vector<16xi32>], vector<16xi32>,
    %swap3A_107 = arith.constant 176 : index
    %swap3A_108 = tpu.vector_load %arg6[%swap3A_107] {strides = array<i32>} : memref<512xi32, #tpu.memory_space<vmem>>, vector<16xi32>,
    tpu.vector_store %arg6[%swap3A_107], %gather3A_106 {strides = array<i32>} : memref<512xi32, #tpu.memory_space<vmem>>, vector<16xi32>,
    %gather3A_109 = tpu.vector_load_idx %arg5[%add3A_105, %broadcast_in_dim3A_5] : memref<512x2xi32, #tpu.memory_space<vmem>>[vector<16xi32>, vector<16xi32>], vector<16xi32>,
    %swap3A_110 = arith.constant 176 : index
    %swap3A_111 = tpu.vector_load %arg7[%swap3A_110] {strides = array<i32>} : memref<512xi32, #tpu.memory_space<vmem>>, vector<16xi32>,
    tpu.vector_store %arg7[%swap3A_110], %gather3A_109 {strides = array<i32>} : memref<512xi32, #tpu.memory_space<vmem>>, vector<16xi32>,
    %add3A_112 = arith.constant 192 : i32
    %add3A_113 = vector.broadcast %add3A_112 : i32 to vector<16xi32>
    %add3A_114 = arith.addi %iota3A, %add3A_113 : vector<16xi32>
    %gather3A_115 = tpu.vector_load_idx %arg5[%add3A_114, %broadcast_in_dim3A_3] : memref<512x2xi32, #tpu.memory_space<vmem>>[vector<16xi32>, vector<16xi32>], vector<16xi32>,
    %swap3A_116 = arith.constant 192 : index
    %swap3A_117 = tpu.vector_load %arg6[%swap3A_116] {strides = array<i32>} : memref<512xi32, #tpu.memory_space<vmem>>, vector<16xi32>,
    tpu.vector_store %arg6[%swap3A_116], %gather3A_115 {strides = array<i32>} : memref<512xi32, #tpu.memory_space<vmem>>, vector<16xi32>,
    %gather3A_118 = tpu.vector_load_idx %arg5[%add3A_114, %broadcast_in_dim3A_5] : memref<512x2xi32, #tpu.memory_space<vmem>>[vector<16xi32>, vector<16xi32>], vector<16xi32>,
    %swap3A_119 = arith.constant 192 : index
    %swap3A_120 = tpu.vector_load %arg7[%swap3A_119] {strides = array<i32>} : memref<512xi32, #tpu.memory_space<vmem>>, vector<16xi32>,
    tpu.vector_store %arg7[%swap3A_119], %gather3A_118 {strides = array<i32>} : memref<512xi32, #tpu.memory_space<vmem>>, vector<16xi32>,
    %add3A_121 = arith.constant 208 : i32
    %add3A_122 = vector.broadcast %add3A_121 : i32 to vector<16xi32>
    %add3A_123 = arith.addi %iota3A, %add3A_122 : vector<16xi32>
    %gather3A_124 = tpu.vector_load_idx %arg5[%add3A_123, %broadcast_in_dim3A_3] : memref<512x2xi32, #tpu.memory_space<vmem>>[vector<16xi32>, vector<16xi32>], vector<16xi32>,
    %swap3A_125 = arith.constant 208 : index
    %swap3A_126 = tpu.vector_load %arg6[%swap3A_125] {strides = array<i32>} : memref<512xi32, #tpu.memory_space<vmem>>, vector<16xi32>,
    tpu.vector_store %arg6[%swap3A_125], %gather3A_124 {strides = array<i32>} : memref<512xi32, #tpu.memory_space<vmem>>, vector<16xi32>,
    %gather3A_127 = tpu.vector_load_idx %arg5[%add3A_123, %broadcast_in_dim3A_5] : memref<512x2xi32, #tpu.memory_space<vmem>>[vector<16xi32>, vector<16xi32>], vector<16xi32>,
    %swap3A_128 = arith.constant 208 : index
    %swap3A_129 = tpu.vector_load %arg7[%swap3A_128] {strides = array<i32>} : memref<512xi32, #tpu.memory_space<vmem>>, vector<16xi32>,
    tpu.vector_store %arg7[%swap3A_128], %gather3A_127 {strides = array<i32>} : memref<512xi32, #tpu.memory_space<vmem>>, vector<16xi32>,
    %add3A_130 = arith.constant 224 : i32
    %add3A_131 = vector.broadcast %add3A_130 : i32 to vector<16xi32>
    %add3A_132 = arith.addi %iota3A, %add3A_131 : vector<16xi32>
    %gather3A_133 = tpu.vector_load_idx %arg5[%add3A_132, %broadcast_in_dim3A_3] : memref<512x2xi32, #tpu.memory_space<vmem>>[vector<16xi32>, vector<16xi32>], vector<16xi32>,
    %swap3A_134 = arith.constant 224 : index
    %swap3A_135 = tpu.vector_load %arg6[%swap3A_134] {strides = array<i32>} : memref<512xi32, #tpu.memory_space<vmem>>, vector<16xi32>,
    tpu.vector_store %arg6[%swap3A_134], %gather3A_133 {strides = array<i32>} : memref<512xi32, #tpu.memory_space<vmem>>, vector<16xi32>,
    %gather3A_136 = tpu.vector_load_idx %arg5[%add3A_132, %broadcast_in_dim3A_5] : memref<512x2xi32, #tpu.memory_space<vmem>>[vector<16xi32>, vector<16xi32>], vector<16xi32>,
    %swap3A_137 = arith.constant 224 : index
    %swap3A_138 = tpu.vector_load %arg7[%swap3A_137] {strides = array<i32>} : memref<512xi32, #tpu.memory_space<vmem>>, vector<16xi32>,
    tpu.vector_store %arg7[%swap3A_137], %gather3A_136 {strides = array<i32>} : memref<512xi32, #tpu.memory_space<vmem>>, vector<16xi32>,
    %add3A_139 = arith.constant 240 : i32
    %add3A_140 = vector.broadcast %add3A_139 : i32 to vector<16xi32>
    %add3A_141 = arith.addi %iota3A, %add3A_140 : vector<16xi32>
    %gather3A_142 = tpu.vector_load_idx %arg5[%add3A_141, %broadcast_in_dim3A_3] : memref<512x2xi32, #tpu.memory_space<vmem>>[vector<16xi32>, vector<16xi32>], vector<16xi32>,
    %swap3A_143 = arith.constant 240 : index
    %swap3A_144 = tpu.vector_load %arg6[%swap3A_143] {strides = array<i32>} : memref<512xi32, #tpu.memory_space<vmem>>, vector<16xi32>,
    tpu.vector_store %arg6[%swap3A_143], %gather3A_142 {strides = array<i32>} : memref<512xi32, #tpu.memory_space<vmem>>, vector<16xi32>,
    %gather3A_145 = tpu.vector_load_idx %arg5[%add3A_141, %broadcast_in_dim3A_5] : memref<512x2xi32, #tpu.memory_space<vmem>>[vector<16xi32>, vector<16xi32>], vector<16xi32>,
    %swap3A_146 = arith.constant 240 : index
    %swap3A_147 = tpu.vector_load %arg7[%swap3A_146] {strides = array<i32>} : memref<512xi32, #tpu.memory_space<vmem>>, vector<16xi32>,
    tpu.vector_store %arg7[%swap3A_146], %gather3A_145 {strides = array<i32>} : memref<512xi32, #tpu.memory_space<vmem>>, vector<16xi32>,
    %add3A_148 = arith.constant 256 : i32
    %add3A_149 = vector.broadcast %add3A_148 : i32 to vector<16xi32>
    %add3A_150 = arith.addi %iota3A, %add3A_149 : vector<16xi32>
    %gather3A_151 = tpu.vector_load_idx %arg5[%add3A_150, %broadcast_in_dim3A_3] : memref<512x2xi32, #tpu.memory_space<vmem>>[vector<16xi32>, vector<16xi32>], vector<16xi32>,
    %swap3A_152 = arith.constant 256 : index
    %swap3A_153 = tpu.vector_load %arg6[%swap3A_152] {strides = array<i32>} : memref<512xi32, #tpu.memory_space<vmem>>, vector<16xi32>,
    tpu.vector_store %arg6[%swap3A_152], %gather3A_151 {strides = array<i32>} : memref<512xi32, #tpu.memory_space<vmem>>, vector<16xi32>,
    %gather3A_154 = tpu.vector_load_idx %arg5[%add3A_150, %broadcast_in_dim3A_5] : memref<512x2xi32, #tpu.memory_space<vmem>>[vector<16xi32>, vector<16xi32>], vector<16xi32>,
    %swap3A_155 = arith.constant 256 : index
    %swap3A_156 = tpu.vector_load %arg7[%swap3A_155] {strides = array<i32>} : memref<512xi32, #tpu.memory_space<vmem>>, vector<16xi32>,
    tpu.vector_store %arg7[%swap3A_155], %gather3A_154 {strides = array<i32>} : memref<512xi32, #tpu.memory_space<vmem>>, vector<16xi32>,
    %add3A_157 = arith.constant 272 : i32
    %add3A_158 = vector.broadcast %add3A_157 : i32 to vector<16xi32>
    %add3A_159 = arith.addi %iota3A, %add3A_158 : vector<16xi32>
    %gather3A_160 = tpu.vector_load_idx %arg5[%add3A_159, %broadcast_in_dim3A_3] : memref<512x2xi32, #tpu.memory_space<vmem>>[vector<16xi32>, vector<16xi32>], vector<16xi32>,
    %swap3A_161 = arith.constant 272 : index
    %swap3A_162 = tpu.vector_load %arg6[%swap3A_161] {strides = array<i32>} : memref<512xi32, #tpu.memory_space<vmem>>, vector<16xi32>,
    tpu.vector_store %arg6[%swap3A_161], %gather3A_160 {strides = array<i32>} : memref<512xi32, #tpu.memory_space<vmem>>, vector<16xi32>,
    %gather3A_163 = tpu.vector_load_idx %arg5[%add3A_159, %broadcast_in_dim3A_5] : memref<512x2xi32, #tpu.memory_space<vmem>>[vector<16xi32>, vector<16xi32>], vector<16xi32>,
    %swap3A_164 = arith.constant 272 : index
    %swap3A_165 = tpu.vector_load %arg7[%swap3A_164] {strides = array<i32>} : memref<512xi32, #tpu.memory_space<vmem>>, vector<16xi32>,
    tpu.vector_store %arg7[%swap3A_164], %gather3A_163 {strides = array<i32>} : memref<512xi32, #tpu.memory_space<vmem>>, vector<16xi32>,
    %add3A_166 = arith.constant 288 : i32
    %add3A_167 = vector.broadcast %add3A_166 : i32 to vector<16xi32>
    %add3A_168 = arith.addi %iota3A, %add3A_167 : vector<16xi32>
    %gather3A_169 = tpu.vector_load_idx %arg5[%add3A_168, %broadcast_in_dim3A_3] : memref<512x2xi32, #tpu.memory_space<vmem>>[vector<16xi32>, vector<16xi32>], vector<16xi32>,
    %swap3A_170 = arith.constant 288 : index
    %swap3A_171 = tpu.vector_load %arg6[%swap3A_170] {strides = array<i32>} : memref<512xi32, #tpu.memory_space<vmem>>, vector<16xi32>,
    tpu.vector_store %arg6[%swap3A_170], %gather3A_169 {strides = array<i32>} : memref<512xi32, #tpu.memory_space<vmem>>, vector<16xi32>,
    %gather3A_172 = tpu.vector_load_idx %arg5[%add3A_168, %broadcast_in_dim3A_5] : memref<512x2xi32, #tpu.memory_space<vmem>>[vector<16xi32>, vector<16xi32>], vector<16xi32>,
    %swap3A_173 = arith.constant 288 : index
    %swap3A_174 = tpu.vector_load %arg7[%swap3A_173] {strides = array<i32>} : memref<512xi32, #tpu.memory_space<vmem>>, vector<16xi32>,
    tpu.vector_store %arg7[%swap3A_173], %gather3A_172 {strides = array<i32>} : memref<512xi32, #tpu.memory_space<vmem>>, vector<16xi32>,
    %add3A_175 = arith.constant 304 : i32
    %add3A_176 = vector.broadcast %add3A_175 : i32 to vector<16xi32>
    %add3A_177 = arith.addi %iota3A, %add3A_176 : vector<16xi32>
    %gather3A_178 = tpu.vector_load_idx %arg5[%add3A_177, %broadcast_in_dim3A_3] : memref<512x2xi32, #tpu.memory_space<vmem>>[vector<16xi32>, vector<16xi32>], vector<16xi32>,
    %swap3A_179 = arith.constant 304 : index
    %swap3A_180 = tpu.vector_load %arg6[%swap3A_179] {strides = array<i32>} : memref<512xi32, #tpu.memory_space<vmem>>, vector<16xi32>,
    tpu.vector_store %arg6[%swap3A_179], %gather3A_178 {strides = array<i32>} : memref<512xi32, #tpu.memory_space<vmem>>, vector<16xi32>,
    %gather3A_181 = tpu.vector_load_idx %arg5[%add3A_177, %broadcast_in_dim3A_5] : memref<512x2xi32, #tpu.memory_space<vmem>>[vector<16xi32>, vector<16xi32>], vector<16xi32>,
    %swap3A_182 = arith.constant 304 : index
    %swap3A_183 = tpu.vector_load %arg7[%swap3A_182] {strides = array<i32>} : memref<512xi32, #tpu.memory_space<vmem>>, vector<16xi32>,
    tpu.vector_store %arg7[%swap3A_182], %gather3A_181 {strides = array<i32>} : memref<512xi32, #tpu.memory_space<vmem>>, vector<16xi32>,
    %add3A_184 = arith.constant 320 : i32
    %add3A_185 = vector.broadcast %add3A_184 : i32 to vector<16xi32>
    %add3A_186 = arith.addi %iota3A, %add3A_185 : vector<16xi32>
    %gather3A_187 = tpu.vector_load_idx %arg5[%add3A_186, %broadcast_in_dim3A_3] : memref<512x2xi32, #tpu.memory_space<vmem>>[vector<16xi32>, vector<16xi32>], vector<16xi32>,
    %swap3A_188 = arith.constant 320 : index
    %swap3A_189 = tpu.vector_load %arg6[%swap3A_188] {strides = array<i32>} : memref<512xi32, #tpu.memory_space<vmem>>, vector<16xi32>,
    tpu.vector_store %arg6[%swap3A_188], %gather3A_187 {strides = array<i32>} : memref<512xi32, #tpu.memory_space<vmem>>, vector<16xi32>,
    %gather3A_190 = tpu.vector_load_idx %arg5[%add3A_186, %broadcast_in_dim3A_5] : memref<512x2xi32, #tpu.memory_space<vmem>>[vector<16xi32>, vector<16xi32>], vector<16xi32>,
    %swap3A_191 = arith.constant 320 : index
    %swap3A_192 = tpu.vector_load %arg7[%swap3A_191] {strides = array<i32>} : memref<512xi32, #tpu.memory_space<vmem>>, vector<16xi32>,
    tpu.vector_store %arg7[%swap3A_191], %gather3A_190 {strides = array<i32>} : memref<512xi32, #tpu.memory_space<vmem>>, vector<16xi32>,
    %add3A_193 = arith.constant 336 : i32
    %add3A_194 = vector.broadcast %add3A_193 : i32 to vector<16xi32>
    %add3A_195 = arith.addi %iota3A, %add3A_194 : vector<16xi32>
    %gather3A_196 = tpu.vector_load_idx %arg5[%add3A_195, %broadcast_in_dim3A_3] : memref<512x2xi32, #tpu.memory_space<vmem>>[vector<16xi32>, vector<16xi32>], vector<16xi32>,
    %swap3A_197 = arith.constant 336 : index
    %swap3A_198 = tpu.vector_load %arg6[%swap3A_197] {strides = array<i32>} : memref<512xi32, #tpu.memory_space<vmem>>, vector<16xi32>,
    tpu.vector_store %arg6[%swap3A_197], %gather3A_196 {strides = array<i32>} : memref<512xi32, #tpu.memory_space<vmem>>, vector<16xi32>,
    %gather3A_199 = tpu.vector_load_idx %arg5[%add3A_195, %broadcast_in_dim3A_5] : memref<512x2xi32, #tpu.memory_space<vmem>>[vector<16xi32>, vector<16xi32>], vector<16xi32>,
    %swap3A_200 = arith.constant 336 : index
    %swap3A_201 = tpu.vector_load %arg7[%swap3A_200] {strides = array<i32>} : memref<512xi32, #tpu.memory_space<vmem>>, vector<16xi32>,
    tpu.vector_store %arg7[%swap3A_200], %gather3A_199 {strides = array<i32>} : memref<512xi32, #tpu.memory_space<vmem>>, vector<16xi32>,
    %add3A_202 = arith.constant 352 : i32
    %add3A_203 = vector.broadcast %add3A_202 : i32 to vector<16xi32>
    %add3A_204 = arith.addi %iota3A, %add3A_203 : vector<16xi32>
    %gather3A_205 = tpu.vector_load_idx %arg5[%add3A_204, %broadcast_in_dim3A_3] : memref<512x2xi32, #tpu.memory_space<vmem>>[vector<16xi32>, vector<16xi32>], vector<16xi32>,
    %swap3A_206 = arith.constant 352 : index
    %swap3A_207 = tpu.vector_load %arg6[%swap3A_206] {strides = array<i32>} : memref<512xi32, #tpu.memory_space<vmem>>, vector<16xi32>,
    tpu.vector_store %arg6[%swap3A_206], %gather3A_205 {strides = array<i32>} : memref<512xi32, #tpu.memory_space<vmem>>, vector<16xi32>,
    %gather3A_208 = tpu.vector_load_idx %arg5[%add3A_204, %broadcast_in_dim3A_5] : memref<512x2xi32, #tpu.memory_space<vmem>>[vector<16xi32>, vector<16xi32>], vector<16xi32>,
    %swap3A_209 = arith.constant 352 : index
    %swap3A_210 = tpu.vector_load %arg7[%swap3A_209] {strides = array<i32>} : memref<512xi32, #tpu.memory_space<vmem>>, vector<16xi32>,
    tpu.vector_store %arg7[%swap3A_209], %gather3A_208 {strides = array<i32>} : memref<512xi32, #tpu.memory_space<vmem>>, vector<16xi32>,
    %add3A_211 = arith.constant 368 : i32
    %add3A_212 = vector.broadcast %add3A_211 : i32 to vector<16xi32>
    %add3A_213 = arith.addi %iota3A, %add3A_212 : vector<16xi32>
    %gather3A_214 = tpu.vector_load_idx %arg5[%add3A_213, %broadcast_in_dim3A_3] : memref<512x2xi32, #tpu.memory_space<vmem>>[vector<16xi32>, vector<16xi32>], vector<16xi32>,
    %swap3A_215 = arith.constant 368 : index
    %swap3A_216 = tpu.vector_load %arg6[%swap3A_215] {strides = array<i32>} : memref<512xi32, #tpu.memory_space<vmem>>, vector<16xi32>,
    tpu.vector_store %arg6[%swap3A_215], %gather3A_214 {strides = array<i32>} : memref<512xi32, #tpu.memory_space<vmem>>, vector<16xi32>,
    %gather3A_217 = tpu.vector_load_idx %arg5[%add3A_213, %broadcast_in_dim3A_5] : memref<512x2xi32, #tpu.memory_space<vmem>>[vector<16xi32>, vector<16xi32>], vector<16xi32>,
    %swap3A_218 = arith.constant 368 : index
    %swap3A_219 = tpu.vector_load %arg7[%swap3A_218] {strides = array<i32>} : memref<512xi32, #tpu.memory_space<vmem>>, vector<16xi32>,
    tpu.vector_store %arg7[%swap3A_218], %gather3A_217 {strides = array<i32>} : memref<512xi32, #tpu.memory_space<vmem>>, vector<16xi32>,
    %add3A_220 = arith.constant 384 : i32
    %add3A_221 = vector.broadcast %add3A_220 : i32 to vector<16xi32>
    %add3A_222 = arith.addi %iota3A, %add3A_221 : vector<16xi32>
    %gather3A_223 = tpu.vector_load_idx %arg5[%add3A_222, %broadcast_in_dim3A_3] : memref<512x2xi32, #tpu.memory_space<vmem>>[vector<16xi32>, vector<16xi32>], vector<16xi32>,
    %swap3A_224 = arith.constant 384 : index
    %swap3A_225 = tpu.vector_load %arg6[%swap3A_224] {strides = array<i32>} : memref<512xi32, #tpu.memory_space<vmem>>, vector<16xi32>,
    tpu.vector_store %arg6[%swap3A_224], %gather3A_223 {strides = array<i32>} : memref<512xi32, #tpu.memory_space<vmem>>, vector<16xi32>,
    %gather3A_226 = tpu.vector_load_idx %arg5[%add3A_222, %broadcast_in_dim3A_5] : memref<512x2xi32, #tpu.memory_space<vmem>>[vector<16xi32>, vector<16xi32>], vector<16xi32>,
    %swap3A_227 = arith.constant 384 : index
    %swap3A_228 = tpu.vector_load %arg7[%swap3A_227] {strides = array<i32>} : memref<512xi32, #tpu.memory_space<vmem>>, vector<16xi32>,
    tpu.vector_store %arg7[%swap3A_227], %gather3A_226 {strides = array<i32>} : memref<512xi32, #tpu.memory_space<vmem>>, vector<16xi32>,
    %add3A_229 = arith.constant 400 : i32
    %add3A_230 = vector.broadcast %add3A_229 : i32 to vector<16xi32>
    %add3A_231 = arith.addi %iota3A, %add3A_230 : vector<16xi32>
    %gather3A_232 = tpu.vector_load_idx %arg5[%add3A_231, %broadcast_in_dim3A_3] : memref<512x2xi32, #tpu.memory_space<vmem>>[vector<16xi32>, vector<16xi32>], vector<16xi32>,
    %swap3A_233 = arith.constant 400 : index
    %swap3A_234 = tpu.vector_load %arg6[%swap3A_233] {strides = array<i32>} : memref<512xi32, #tpu.memory_space<vmem>>, vector<16xi32>,
    tpu.vector_store %arg6[%swap3A_233], %gather3A_232 {strides = array<i32>} : memref<512xi32, #tpu.memory_space<vmem>>, vector<16xi32>,
    %gather3A_235 = tpu.vector_load_idx %arg5[%add3A_231, %broadcast_in_dim3A_5] : memref<512x2xi32, #tpu.memory_space<vmem>>[vector<16xi32>, vector<16xi32>], vector<16xi32>,
    %swap3A_236 = arith.constant 400 : index
    %swap3A_237 = tpu.vector_load %arg7[%swap3A_236] {strides = array<i32>} : memref<512xi32, #tpu.memory_space<vmem>>, vector<16xi32>,
    tpu.vector_store %arg7[%swap3A_236], %gather3A_235 {strides = array<i32>} : memref<512xi32, #tpu.memory_space<vmem>>, vector<16xi32>,
    %add3A_238 = arith.constant 416 : i32
    %add3A_239 = vector.broadcast %add3A_238 : i32 to vector<16xi32>
    %add3A_240 = arith.addi %iota3A, %add3A_239 : vector<16xi32>
    %gather3A_241 = tpu.vector_load_idx %arg5[%add3A_240, %broadcast_in_dim3A_3] : memref<512x2xi32, #tpu.memory_space<vmem>>[vector<16xi32>, vector<16xi32>], vector<16xi32>,
    %swap3A_242 = arith.constant 416 : index
    %swap3A_243 = tpu.vector_load %arg6[%swap3A_242] {strides = array<i32>} : memref<512xi32, #tpu.memory_space<vmem>>, vector<16xi32>,
    tpu.vector_store %arg6[%swap3A_242], %gather3A_241 {strides = array<i32>} : memref<512xi32, #tpu.memory_space<vmem>>, vector<16xi32>,
    %gather3A_244 = tpu.vector_load_idx %arg5[%add3A_240, %broadcast_in_dim3A_5] : memref<512x2xi32, #tpu.memory_space<vmem>>[vector<16xi32>, vector<16xi32>], vector<16xi32>,
    %swap3A_245 = arith.constant 416 : index
    %swap3A_246 = tpu.vector_load %arg7[%swap3A_245] {strides = array<i32>} : memref<512xi32, #tpu.memory_space<vmem>>, vector<16xi32>,
    tpu.vector_store %arg7[%swap3A_245], %gather3A_244 {strides = array<i32>} : memref<512xi32, #tpu.memory_space<vmem>>, vector<16xi32>,
    %add3A_247 = arith.constant 432 : i32
    %add3A_248 = vector.broadcast %add3A_247 : i32 to vector<16xi32>
    %add3A_249 = arith.addi %iota3A, %add3A_248 : vector<16xi32>
    %gather3A_250 = tpu.vector_load_idx %arg5[%add3A_249, %broadcast_in_dim3A_3] : memref<512x2xi32, #tpu.memory_space<vmem>>[vector<16xi32>, vector<16xi32>], vector<16xi32>,
    %swap3A_251 = arith.constant 432 : index
    %swap3A_252 = tpu.vector_load %arg6[%swap3A_251] {strides = array<i32>} : memref<512xi32, #tpu.memory_space<vmem>>, vector<16xi32>,
    tpu.vector_store %arg6[%swap3A_251], %gather3A_250 {strides = array<i32>} : memref<512xi32, #tpu.memory_space<vmem>>, vector<16xi32>,
    %gather3A_253 = tpu.vector_load_idx %arg5[%add3A_249, %broadcast_in_dim3A_5] : memref<512x2xi32, #tpu.memory_space<vmem>>[vector<16xi32>, vector<16xi32>], vector<16xi32>,
    %swap3A_254 = arith.constant 432 : index
    %swap3A_255 = tpu.vector_load %arg7[%swap3A_254] {strides = array<i32>} : memref<512xi32, #tpu.memory_space<vmem>>, vector<16xi32>,
    tpu.vector_store %arg7[%swap3A_254], %gather3A_253 {strides = array<i32>} : memref<512xi32, #tpu.memory_space<vmem>>, vector<16xi32>,
    %add3A_256 = arith.constant 448 : i32
    %add3A_257 = vector.broadcast %add3A_256 : i32 to vector<16xi32>
    %add3A_258 = arith.addi %iota3A, %add3A_257 : vector<16xi32>
    %gather3A_259 = tpu.vector_load_idx %arg5[%add3A_258, %broadcast_in_dim3A_3] : memref<512x2xi32, #tpu.memory_space<vmem>>[vector<16xi32>, vector<16xi32>], vector<16xi32>,
    %swap3A_260 = arith.constant 448 : index
    %swap3A_261 = tpu.vector_load %arg6[%swap3A_260] {strides = array<i32>} : memref<512xi32, #tpu.memory_space<vmem>>, vector<16xi32>,
    tpu.vector_store %arg6[%swap3A_260], %gather3A_259 {strides = array<i32>} : memref<512xi32, #tpu.memory_space<vmem>>, vector<16xi32>,
    %gather3A_262 = tpu.vector_load_idx %arg5[%add3A_258, %broadcast_in_dim3A_5] : memref<512x2xi32, #tpu.memory_space<vmem>>[vector<16xi32>, vector<16xi32>], vector<16xi32>,
    %swap3A_263 = arith.constant 448 : index
    %swap3A_264 = tpu.vector_load %arg7[%swap3A_263] {strides = array<i32>} : memref<512xi32, #tpu.memory_space<vmem>>, vector<16xi32>,
    tpu.vector_store %arg7[%swap3A_263], %gather3A_262 {strides = array<i32>} : memref<512xi32, #tpu.memory_space<vmem>>, vector<16xi32>,
    %add3A_265 = arith.constant 464 : i32
    %add3A_266 = vector.broadcast %add3A_265 : i32 to vector<16xi32>
    %add3A_267 = arith.addi %iota3A, %add3A_266 : vector<16xi32>
    %gather3A_268 = tpu.vector_load_idx %arg5[%add3A_267, %broadcast_in_dim3A_3] : memref<512x2xi32, #tpu.memory_space<vmem>>[vector<16xi32>, vector<16xi32>], vector<16xi32>,
    %swap3A_269 = arith.constant 464 : index
    %swap3A_270 = tpu.vector_load %arg6[%swap3A_269] {strides = array<i32>} : memref<512xi32, #tpu.memory_space<vmem>>, vector<16xi32>,
    tpu.vector_store %arg6[%swap3A_269], %gather3A_268 {strides = array<i32>} : memref<512xi32, #tpu.memory_space<vmem>>, vector<16xi32>,
    %gather3A_271 = tpu.vector_load_idx %arg5[%add3A_267, %broadcast_in_dim3A_5] : memref<512x2xi32, #tpu.memory_space<vmem>>[vector<16xi32>, vector<16xi32>], vector<16xi32>,
    %swap3A_272 = arith.constant 464 : index
    %swap3A_273 = tpu.vector_load %arg7[%swap3A_272] {strides = array<i32>} : memref<512xi32, #tpu.memory_space<vmem>>, vector<16xi32>,
    tpu.vector_store %arg7[%swap3A_272], %gather3A_271 {strides = array<i32>} : memref<512xi32, #tpu.memory_space<vmem>>, vector<16xi32>,
    %add3A_274 = arith.constant 480 : i32
    %add3A_275 = vector.broadcast %add3A_274 : i32 to vector<16xi32>
    %add3A_276 = arith.addi %iota3A, %add3A_275 : vector<16xi32>
    %gather3A_277 = tpu.vector_load_idx %arg5[%add3A_276, %broadcast_in_dim3A_3] : memref<512x2xi32, #tpu.memory_space<vmem>>[vector<16xi32>, vector<16xi32>], vector<16xi32>,
    %swap3A_278 = arith.constant 480 : index
    %swap3A_279 = tpu.vector_load %arg6[%swap3A_278] {strides = array<i32>} : memref<512xi32, #tpu.memory_space<vmem>>, vector<16xi32>,
    tpu.vector_store %arg6[%swap3A_278], %gather3A_277 {strides = array<i32>} : memref<512xi32, #tpu.memory_space<vmem>>, vector<16xi32>,
    %gather3A_280 = tpu.vector_load_idx %arg5[%add3A_276, %broadcast_in_dim3A_5] : memref<512x2xi32, #tpu.memory_space<vmem>>[vector<16xi32>, vector<16xi32>], vector<16xi32>,
    %swap3A_281 = arith.constant 480 : index
    %swap3A_282 = tpu.vector_load %arg7[%swap3A_281] {strides = array<i32>} : memref<512xi32, #tpu.memory_space<vmem>>, vector<16xi32>,
    tpu.vector_store %arg7[%swap3A_281], %gather3A_280 {strides = array<i32>} : memref<512xi32, #tpu.memory_space<vmem>>, vector<16xi32>,
    %add3A_283 = arith.constant 496 : i32
    %add3A_284 = vector.broadcast %add3A_283 : i32 to vector<16xi32>
    %add3A_285 = arith.addi %iota3A, %add3A_284 : vector<16xi32>
    %gather3A_286 = tpu.vector_load_idx %arg5[%add3A_285, %broadcast_in_dim3A_3] : memref<512x2xi32, #tpu.memory_space<vmem>>[vector<16xi32>, vector<16xi32>], vector<16xi32>,
    %swap3A_287 = arith.constant 496 : index
    %swap3A_288 = tpu.vector_load %arg6[%swap3A_287] {strides = array<i32>} : memref<512xi32, #tpu.memory_space<vmem>>, vector<16xi32>,
    tpu.vector_store %arg6[%swap3A_287], %gather3A_286 {strides = array<i32>} : memref<512xi32, #tpu.memory_space<vmem>>, vector<16xi32>,
    %gather3A_289 = tpu.vector_load_idx %arg5[%add3A_285, %broadcast_in_dim3A_5] : memref<512x2xi32, #tpu.memory_space<vmem>>[vector<16xi32>, vector<16xi32>], vector<16xi32>,
    %swap3A_290 = arith.constant 496 : index
    %swap3A_291 = tpu.vector_load %arg7[%swap3A_290] {strides = array<i32>} : memref<512xi32, #tpu.memory_space<vmem>>, vector<16xi32>,
    tpu.vector_store %arg7[%swap3A_290], %gather3A_289 {strides = array<i32>} : memref<512xi32, #tpu.memory_space<vmem>>, vector<16xi32>,
    "tpu.region"() ({
      %run_scoped3A = tpu.sem_alloc : memref<!tpu.dma_semaphore, #tpu.memory_space<semaphore_mem>>
      %dma_start3A = tpu.memref_slice %arg3[%mul3A_2] : memref<16384xi32, #tpu.memory_space<hbm>> -> memref<512xi32, #tpu.memory_space<hbm>>
      %dma_start3A_292 = tpu.memref_slice %arg3[%mul3A_2] : memref<16384xi32, #tpu.memory_space<hbm>> -> memref<512xi32, #tpu.memory_space<hbm>>
      tpu.enqueue_dma source(%arg6 : memref<512xi32, #tpu.memory_space<vmem>>) target(%dma_start3A_292 : memref<512xi32, #tpu.memory_space<hbm>>) target_semaphore(%run_scoped3A : memref<!tpu.dma_semaphore, #tpu.memory_space<semaphore_mem>>)
      %dma_wait3A = tpu.memref_slice %arg3[%mul3A_2] : memref<16384xi32, #tpu.memory_space<hbm>> -> memref<512xi32, #tpu.memory_space<hbm>>
      %dma_wait3A_293 = tpu.memref_slice %arg3[%mul3A_2] : memref<16384xi32, #tpu.memory_space<hbm>> -> memref<512xi32, #tpu.memory_space<hbm>>
      tpu.wait_dma2 semaphore(%run_scoped3A : memref<!tpu.dma_semaphore, #tpu.memory_space<semaphore_mem>>) src(%arg6 : memref<512xi32, #tpu.memory_space<vmem>>) dst(%dma_wait3A_293 : memref<512xi32, #tpu.memory_space<hbm>>)
      tpu.yield
    }) : () -> ()
    "tpu.region"() ({
      %run_scoped3A = tpu.sem_alloc : memref<!tpu.dma_semaphore, #tpu.memory_space<semaphore_mem>>
      %dma_start3A = tpu.memref_slice %arg4[%mul3A_2] : memref<16384xi32, #tpu.memory_space<hbm>> -> memref<512xi32, #tpu.memory_space<hbm>>
      %dma_start3A_292 = tpu.memref_slice %arg4[%mul3A_2] : memref<16384xi32, #tpu.memory_space<hbm>> -> memref<512xi32, #tpu.memory_space<hbm>>
      tpu.enqueue_dma source(%arg7 : memref<512xi32, #tpu.memory_space<vmem>>) target(%dma_start3A_292 : memref<512xi32, #tpu.memory_space<hbm>>) target_semaphore(%run_scoped3A : memref<!tpu.dma_semaphore, #tpu.memory_space<semaphore_mem>>)
      %dma_wait3A = tpu.memref_slice %arg4[%mul3A_2] : memref<16384xi32, #tpu.memory_space<hbm>> -> memref<512xi32, #tpu.memory_space<hbm>>
      %dma_wait3A_293 = tpu.memref_slice %arg4[%mul3A_2] : memref<16384xi32, #tpu.memory_space<hbm>> -> memref<512xi32, #tpu.memory_space<hbm>>
      tpu.wait_dma2 semaphore(%run_scoped3A : memref<!tpu.dma_semaphore, #tpu.memory_space<semaphore_mem>>) src(%arg7 : memref<512xi32, #tpu.memory_space<vmem>>) dst(%dma_wait3A_293 : memref<512xi32, #tpu.memory_space<hbm>>)
      tpu.yield
    }) : () -> ()
    return
  }
}

#map = affine_map<(d0, d1) -> (0, 0)>
#map1 = affine_map<(d0, d1) -> (0)>
module attributes {stable_mosaic.version = 14 : i64} {
  func.func @_finish(%arg0: i32, %arg1: i32, %arg2: memref<32x16xf32, #tpu.memory_space<hbm>>, %arg3: memref<16384xf32, #tpu.memory_space<hbm>>, %arg4: memref<32x16xf32, #tpu.memory_space<vmem>>, %arg5: memref<512xf32, #tpu.memory_space<vmem>>) attributes {dimension_semantics = [#tpu.dimension_semantics<core_parallel>, #tpu.dimension_semantics<subcore_parallel>], iteration_bounds = array<i64: 2, 16>, scalar_prefetch = 0 : i64, scratch_operands = 2 : i64, tpu.core_type = #tpu.core_type<sc_vector_subcore>, window_params = [{transform_indices = #map}, {transform_indices = #map1}]} {
    %mul3A = arith.constant 2 : i32
    %mul3A_0 = arith.muli %arg1, %mul3A : i32
    %add3A = arith.addi %mul3A_0, %arg0 : i32
    %mul3A_1 = arith.constant 512 : i32
    %mul3A_2 = arith.muli %add3A, %mul3A_1 : i32
    "tpu.region"() ({
      %run_scoped3A = tpu.sem_alloc : memref<!tpu.dma_semaphore, #tpu.memory_space<semaphore_mem>>
      tpu.enqueue_dma source(%arg2 : memref<32x16xf32, #tpu.memory_space<hbm>>) target(%arg4 : memref<32x16xf32, #tpu.memory_space<vmem>>) target_semaphore(%run_scoped3A : memref<!tpu.dma_semaphore, #tpu.memory_space<semaphore_mem>>)
      tpu.wait_dma2 semaphore(%run_scoped3A : memref<!tpu.dma_semaphore, #tpu.memory_space<semaphore_mem>>) src(%arg2 : memref<32x16xf32, #tpu.memory_space<hbm>>) dst(%arg4 : memref<32x16xf32, #tpu.memory_space<vmem>>)
      tpu.yield
    }) : () -> ()
    %get3A = arith.constant 0 : i32
    %get3A_3 = arith.index_cast %get3A : i32 to index
    %get3A_4 = arith.constant 0 : index
    %get3A_5 = tpu.vector_load %arg4[%get3A_3, %get3A_4] {strides = array<i32>} : memref<32x16xf32, #tpu.memory_space<vmem>>, vector<16xf32>,
    %get3A_6 = arith.constant 1 : i32
    %get3A_7 = arith.index_cast %get3A_6 : i32 to index
    %get3A_8 = arith.constant 0 : index
    %get3A_9 = tpu.vector_load %arg4[%get3A_7, %get3A_8] {strides = array<i32>} : memref<32x16xf32, #tpu.memory_space<vmem>>, vector<16xf32>,
    %add3A_10 = arith.addf %get3A_5, %get3A_9 : vector<16xf32>
    %get3A_11 = arith.constant 2 : i32
    %get3A_12 = arith.index_cast %get3A_11 : i32 to index
    %get3A_13 = arith.constant 0 : index
    %get3A_14 = tpu.vector_load %arg4[%get3A_12, %get3A_13] {strides = array<i32>} : memref<32x16xf32, #tpu.memory_space<vmem>>, vector<16xf32>,
    %add3A_15 = arith.addf %add3A_10, %get3A_14 : vector<16xf32>
    %get3A_16 = arith.constant 3 : i32
    %get3A_17 = arith.index_cast %get3A_16 : i32 to index
    %get3A_18 = arith.constant 0 : index
    %get3A_19 = tpu.vector_load %arg4[%get3A_17, %get3A_18] {strides = array<i32>} : memref<32x16xf32, #tpu.memory_space<vmem>>, vector<16xf32>,
    %add3A_20 = arith.addf %add3A_15, %get3A_19 : vector<16xf32>
    %get3A_21 = arith.constant 4 : i32
    %get3A_22 = arith.index_cast %get3A_21 : i32 to index
    %get3A_23 = arith.constant 0 : index
    %get3A_24 = tpu.vector_load %arg4[%get3A_22, %get3A_23] {strides = array<i32>} : memref<32x16xf32, #tpu.memory_space<vmem>>, vector<16xf32>,
    %add3A_25 = arith.addf %add3A_20, %get3A_24 : vector<16xf32>
    %get3A_26 = arith.constant 5 : i32
    %get3A_27 = arith.index_cast %get3A_26 : i32 to index
    %get3A_28 = arith.constant 0 : index
    %get3A_29 = tpu.vector_load %arg4[%get3A_27, %get3A_28] {strides = array<i32>} : memref<32x16xf32, #tpu.memory_space<vmem>>, vector<16xf32>,
    %add3A_30 = arith.addf %add3A_25, %get3A_29 : vector<16xf32>
    %get3A_31 = arith.constant 6 : i32
    %get3A_32 = arith.index_cast %get3A_31 : i32 to index
    %get3A_33 = arith.constant 0 : index
    %get3A_34 = tpu.vector_load %arg4[%get3A_32, %get3A_33] {strides = array<i32>} : memref<32x16xf32, #tpu.memory_space<vmem>>, vector<16xf32>,
    %add3A_35 = arith.addf %add3A_30, %get3A_34 : vector<16xf32>
    %get3A_36 = arith.constant 7 : i32
    %get3A_37 = arith.index_cast %get3A_36 : i32 to index
    %get3A_38 = arith.constant 0 : index
    %get3A_39 = tpu.vector_load %arg4[%get3A_37, %get3A_38] {strides = array<i32>} : memref<32x16xf32, #tpu.memory_space<vmem>>, vector<16xf32>,
    %add3A_40 = arith.addf %add3A_35, %get3A_39 : vector<16xf32>
    %get3A_41 = arith.constant 8 : i32
    %get3A_42 = arith.index_cast %get3A_41 : i32 to index
    %get3A_43 = arith.constant 0 : index
    %get3A_44 = tpu.vector_load %arg4[%get3A_42, %get3A_43] {strides = array<i32>} : memref<32x16xf32, #tpu.memory_space<vmem>>, vector<16xf32>,
    %add3A_45 = arith.addf %add3A_40, %get3A_44 : vector<16xf32>
    %get3A_46 = arith.constant 9 : i32
    %get3A_47 = arith.index_cast %get3A_46 : i32 to index
    %get3A_48 = arith.constant 0 : index
    %get3A_49 = tpu.vector_load %arg4[%get3A_47, %get3A_48] {strides = array<i32>} : memref<32x16xf32, #tpu.memory_space<vmem>>, vector<16xf32>,
    %add3A_50 = arith.addf %add3A_45, %get3A_49 : vector<16xf32>
    %get3A_51 = arith.constant 10 : i32
    %get3A_52 = arith.index_cast %get3A_51 : i32 to index
    %get3A_53 = arith.constant 0 : index
    %get3A_54 = tpu.vector_load %arg4[%get3A_52, %get3A_53] {strides = array<i32>} : memref<32x16xf32, #tpu.memory_space<vmem>>, vector<16xf32>,
    %add3A_55 = arith.addf %add3A_50, %get3A_54 : vector<16xf32>
    %get3A_56 = arith.constant 11 : i32
    %get3A_57 = arith.index_cast %get3A_56 : i32 to index
    %get3A_58 = arith.constant 0 : index
    %get3A_59 = tpu.vector_load %arg4[%get3A_57, %get3A_58] {strides = array<i32>} : memref<32x16xf32, #tpu.memory_space<vmem>>, vector<16xf32>,
    %add3A_60 = arith.addf %add3A_55, %get3A_59 : vector<16xf32>
    %get3A_61 = arith.constant 12 : i32
    %get3A_62 = arith.index_cast %get3A_61 : i32 to index
    %get3A_63 = arith.constant 0 : index
    %get3A_64 = tpu.vector_load %arg4[%get3A_62, %get3A_63] {strides = array<i32>} : memref<32x16xf32, #tpu.memory_space<vmem>>, vector<16xf32>,
    %add3A_65 = arith.addf %add3A_60, %get3A_64 : vector<16xf32>
    %get3A_66 = arith.constant 13 : i32
    %get3A_67 = arith.index_cast %get3A_66 : i32 to index
    %get3A_68 = arith.constant 0 : index
    %get3A_69 = tpu.vector_load %arg4[%get3A_67, %get3A_68] {strides = array<i32>} : memref<32x16xf32, #tpu.memory_space<vmem>>, vector<16xf32>,
    %add3A_70 = arith.addf %add3A_65, %get3A_69 : vector<16xf32>
    %get3A_71 = arith.constant 14 : i32
    %get3A_72 = arith.index_cast %get3A_71 : i32 to index
    %get3A_73 = arith.constant 0 : index
    %get3A_74 = tpu.vector_load %arg4[%get3A_72, %get3A_73] {strides = array<i32>} : memref<32x16xf32, #tpu.memory_space<vmem>>, vector<16xf32>,
    %add3A_75 = arith.addf %add3A_70, %get3A_74 : vector<16xf32>
    %get3A_76 = arith.constant 15 : i32
    %get3A_77 = arith.index_cast %get3A_76 : i32 to index
    %get3A_78 = arith.constant 0 : index
    %get3A_79 = tpu.vector_load %arg4[%get3A_77, %get3A_78] {strides = array<i32>} : memref<32x16xf32, #tpu.memory_space<vmem>>, vector<16xf32>,
    %add3A_80 = arith.addf %add3A_75, %get3A_79 : vector<16xf32>
    %get3A_81 = arith.constant 16 : i32
    %get3A_82 = arith.index_cast %get3A_81 : i32 to index
    %get3A_83 = arith.constant 0 : index
    %get3A_84 = tpu.vector_load %arg4[%get3A_82, %get3A_83] {strides = array<i32>} : memref<32x16xf32, #tpu.memory_space<vmem>>, vector<16xf32>,
    %add3A_85 = arith.addf %add3A_80, %get3A_84 : vector<16xf32>
    %get3A_86 = arith.constant 17 : i32
    %get3A_87 = arith.index_cast %get3A_86 : i32 to index
    %get3A_88 = arith.constant 0 : index
    %get3A_89 = tpu.vector_load %arg4[%get3A_87, %get3A_88] {strides = array<i32>} : memref<32x16xf32, #tpu.memory_space<vmem>>, vector<16xf32>,
    %add3A_90 = arith.addf %add3A_85, %get3A_89 : vector<16xf32>
    %get3A_91 = arith.constant 18 : i32
    %get3A_92 = arith.index_cast %get3A_91 : i32 to index
    %get3A_93 = arith.constant 0 : index
    %get3A_94 = tpu.vector_load %arg4[%get3A_92, %get3A_93] {strides = array<i32>} : memref<32x16xf32, #tpu.memory_space<vmem>>, vector<16xf32>,
    %add3A_95 = arith.addf %add3A_90, %get3A_94 : vector<16xf32>
    %get3A_96 = arith.constant 19 : i32
    %get3A_97 = arith.index_cast %get3A_96 : i32 to index
    %get3A_98 = arith.constant 0 : index
    %get3A_99 = tpu.vector_load %arg4[%get3A_97, %get3A_98] {strides = array<i32>} : memref<32x16xf32, #tpu.memory_space<vmem>>, vector<16xf32>,
    %add3A_100 = arith.addf %add3A_95, %get3A_99 : vector<16xf32>
    %get3A_101 = arith.constant 20 : i32
    %get3A_102 = arith.index_cast %get3A_101 : i32 to index
    %get3A_103 = arith.constant 0 : index
    %get3A_104 = tpu.vector_load %arg4[%get3A_102, %get3A_103] {strides = array<i32>} : memref<32x16xf32, #tpu.memory_space<vmem>>, vector<16xf32>,
    %add3A_105 = arith.addf %add3A_100, %get3A_104 : vector<16xf32>
    %get3A_106 = arith.constant 21 : i32
    %get3A_107 = arith.index_cast %get3A_106 : i32 to index
    %get3A_108 = arith.constant 0 : index
    %get3A_109 = tpu.vector_load %arg4[%get3A_107, %get3A_108] {strides = array<i32>} : memref<32x16xf32, #tpu.memory_space<vmem>>, vector<16xf32>,
    %add3A_110 = arith.addf %add3A_105, %get3A_109 : vector<16xf32>
    %get3A_111 = arith.constant 22 : i32
    %get3A_112 = arith.index_cast %get3A_111 : i32 to index
    %get3A_113 = arith.constant 0 : index
    %get3A_114 = tpu.vector_load %arg4[%get3A_112, %get3A_113] {strides = array<i32>} : memref<32x16xf32, #tpu.memory_space<vmem>>, vector<16xf32>,
    %add3A_115 = arith.addf %add3A_110, %get3A_114 : vector<16xf32>
    %get3A_116 = arith.constant 23 : i32
    %get3A_117 = arith.index_cast %get3A_116 : i32 to index
    %get3A_118 = arith.constant 0 : index
    %get3A_119 = tpu.vector_load %arg4[%get3A_117, %get3A_118] {strides = array<i32>} : memref<32x16xf32, #tpu.memory_space<vmem>>, vector<16xf32>,
    %add3A_120 = arith.addf %add3A_115, %get3A_119 : vector<16xf32>
    %get3A_121 = arith.constant 24 : i32
    %get3A_122 = arith.index_cast %get3A_121 : i32 to index
    %get3A_123 = arith.constant 0 : index
    %get3A_124 = tpu.vector_load %arg4[%get3A_122, %get3A_123] {strides = array<i32>} : memref<32x16xf32, #tpu.memory_space<vmem>>, vector<16xf32>,
    %add3A_125 = arith.addf %add3A_120, %get3A_124 : vector<16xf32>
    %get3A_126 = arith.constant 25 : i32
    %get3A_127 = arith.index_cast %get3A_126 : i32 to index
    %get3A_128 = arith.constant 0 : index
    %get3A_129 = tpu.vector_load %arg4[%get3A_127, %get3A_128] {strides = array<i32>} : memref<32x16xf32, #tpu.memory_space<vmem>>, vector<16xf32>,
    %add3A_130 = arith.addf %add3A_125, %get3A_129 : vector<16xf32>
    %get3A_131 = arith.constant 26 : i32
    %get3A_132 = arith.index_cast %get3A_131 : i32 to index
    %get3A_133 = arith.constant 0 : index
    %get3A_134 = tpu.vector_load %arg4[%get3A_132, %get3A_133] {strides = array<i32>} : memref<32x16xf32, #tpu.memory_space<vmem>>, vector<16xf32>,
    %add3A_135 = arith.addf %add3A_130, %get3A_134 : vector<16xf32>
    %get3A_136 = arith.constant 27 : i32
    %get3A_137 = arith.index_cast %get3A_136 : i32 to index
    %get3A_138 = arith.constant 0 : index
    %get3A_139 = tpu.vector_load %arg4[%get3A_137, %get3A_138] {strides = array<i32>} : memref<32x16xf32, #tpu.memory_space<vmem>>, vector<16xf32>,
    %add3A_140 = arith.addf %add3A_135, %get3A_139 : vector<16xf32>
    %get3A_141 = arith.constant 28 : i32
    %get3A_142 = arith.index_cast %get3A_141 : i32 to index
    %get3A_143 = arith.constant 0 : index
    %get3A_144 = tpu.vector_load %arg4[%get3A_142, %get3A_143] {strides = array<i32>} : memref<32x16xf32, #tpu.memory_space<vmem>>, vector<16xf32>,
    %add3A_145 = arith.addf %add3A_140, %get3A_144 : vector<16xf32>
    %get3A_146 = arith.constant 29 : i32
    %get3A_147 = arith.index_cast %get3A_146 : i32 to index
    %get3A_148 = arith.constant 0 : index
    %get3A_149 = tpu.vector_load %arg4[%get3A_147, %get3A_148] {strides = array<i32>} : memref<32x16xf32, #tpu.memory_space<vmem>>, vector<16xf32>,
    %add3A_150 = arith.addf %add3A_145, %get3A_149 : vector<16xf32>
    %get3A_151 = arith.constant 30 : i32
    %get3A_152 = arith.index_cast %get3A_151 : i32 to index
    %get3A_153 = arith.constant 0 : index
    %get3A_154 = tpu.vector_load %arg4[%get3A_152, %get3A_153] {strides = array<i32>} : memref<32x16xf32, #tpu.memory_space<vmem>>, vector<16xf32>,
    %add3A_155 = arith.addf %add3A_150, %get3A_154 : vector<16xf32>
    %get3A_156 = arith.constant 31 : i32
    %get3A_157 = arith.index_cast %get3A_156 : i32 to index
    %get3A_158 = arith.constant 0 : index
    %get3A_159 = tpu.vector_load %arg4[%get3A_157, %get3A_158] {strides = array<i32>} : memref<32x16xf32, #tpu.memory_space<vmem>>, vector<16xf32>,
    %add3A_160 = arith.addf %add3A_155, %get3A_159 : vector<16xf32>
    %reduce_sum3A = arith.constant true
    %reduce_sum3A_161 = vector.broadcast %reduce_sum3A : i1 to vector<16xi1>
    %reduce_sum3A_162 = tpu.scan <sum>, %add3A_160 masked %reduce_sum3A_161 : vector<16xf32>, vector<16xi1> -> vector<16xf32>
    %reduce_sum3A_163 = vector.extract %reduce_sum3A_162[15] : f32 from vector<16xf32>
    %broadcast_in_dim3A = vector.broadcast %reduce_sum3A_163 : f32 to vector<16xf32>
    %neg3A = arith.constant 0.000000e+00 : f32
    %neg3A_164 = vector.broadcast %neg3A : f32 to vector<16xf32>
    %neg3A_165 = arith.subf %neg3A_164, %broadcast_in_dim3A : vector<16xf32>
    %exp3A = math.exp %neg3A_165 : vector<16xf32>
    %add3A_166 = arith.constant 1.000000e+00 : f32
    %add3A_167 = vector.broadcast %add3A_166 : f32 to vector<16xf32>
    %add3A_168 = arith.addf %add3A_167, %exp3A : vector<16xf32>
    %div3A = arith.constant 1.000000e+00 : f32
    %div3A_169 = vector.broadcast %div3A : f32 to vector<16xf32>
    %div3A_170 = arith.divf %div3A_169, %add3A_168 : vector<16xf32>
    %swap3A = arith.constant 0 : index
    %swap3A_171 = tpu.vector_load %arg5[%swap3A] {strides = array<i32>} : memref<512xf32, #tpu.memory_space<vmem>>, vector<16xf32>,
    tpu.vector_store %arg5[%swap3A], %div3A_170 {strides = array<i32>} : memref<512xf32, #tpu.memory_space<vmem>>, vector<16xf32>,
    %swap3A_172 = arith.constant 16 : index
    %swap3A_173 = tpu.vector_load %arg5[%swap3A_172] {strides = array<i32>} : memref<512xf32, #tpu.memory_space<vmem>>, vector<16xf32>,
    tpu.vector_store %arg5[%swap3A_172], %div3A_170 {strides = array<i32>} : memref<512xf32, #tpu.memory_space<vmem>>, vector<16xf32>,
    %swap3A_174 = arith.constant 32 : index
    %swap3A_175 = tpu.vector_load %arg5[%swap3A_174] {strides = array<i32>} : memref<512xf32, #tpu.memory_space<vmem>>, vector<16xf32>,
    tpu.vector_store %arg5[%swap3A_174], %div3A_170 {strides = array<i32>} : memref<512xf32, #tpu.memory_space<vmem>>, vector<16xf32>,
    %swap3A_176 = arith.constant 48 : index
    %swap3A_177 = tpu.vector_load %arg5[%swap3A_176] {strides = array<i32>} : memref<512xf32, #tpu.memory_space<vmem>>, vector<16xf32>,
    tpu.vector_store %arg5[%swap3A_176], %div3A_170 {strides = array<i32>} : memref<512xf32, #tpu.memory_space<vmem>>, vector<16xf32>,
    %swap3A_178 = arith.constant 64 : index
    %swap3A_179 = tpu.vector_load %arg5[%swap3A_178] {strides = array<i32>} : memref<512xf32, #tpu.memory_space<vmem>>, vector<16xf32>,
    tpu.vector_store %arg5[%swap3A_178], %div3A_170 {strides = array<i32>} : memref<512xf32, #tpu.memory_space<vmem>>, vector<16xf32>,
    %swap3A_180 = arith.constant 80 : index
    %swap3A_181 = tpu.vector_load %arg5[%swap3A_180] {strides = array<i32>} : memref<512xf32, #tpu.memory_space<vmem>>, vector<16xf32>,
    tpu.vector_store %arg5[%swap3A_180], %div3A_170 {strides = array<i32>} : memref<512xf32, #tpu.memory_space<vmem>>, vector<16xf32>,
    %swap3A_182 = arith.constant 96 : index
    %swap3A_183 = tpu.vector_load %arg5[%swap3A_182] {strides = array<i32>} : memref<512xf32, #tpu.memory_space<vmem>>, vector<16xf32>,
    tpu.vector_store %arg5[%swap3A_182], %div3A_170 {strides = array<i32>} : memref<512xf32, #tpu.memory_space<vmem>>, vector<16xf32>,
    %swap3A_184 = arith.constant 112 : index
    %swap3A_185 = tpu.vector_load %arg5[%swap3A_184] {strides = array<i32>} : memref<512xf32, #tpu.memory_space<vmem>>, vector<16xf32>,
    tpu.vector_store %arg5[%swap3A_184], %div3A_170 {strides = array<i32>} : memref<512xf32, #tpu.memory_space<vmem>>, vector<16xf32>,
    %swap3A_186 = arith.constant 128 : index
    %swap3A_187 = tpu.vector_load %arg5[%swap3A_186] {strides = array<i32>} : memref<512xf32, #tpu.memory_space<vmem>>, vector<16xf32>,
    tpu.vector_store %arg5[%swap3A_186], %div3A_170 {strides = array<i32>} : memref<512xf32, #tpu.memory_space<vmem>>, vector<16xf32>,
    %swap3A_188 = arith.constant 144 : index
    %swap3A_189 = tpu.vector_load %arg5[%swap3A_188] {strides = array<i32>} : memref<512xf32, #tpu.memory_space<vmem>>, vector<16xf32>,
    tpu.vector_store %arg5[%swap3A_188], %div3A_170 {strides = array<i32>} : memref<512xf32, #tpu.memory_space<vmem>>, vector<16xf32>,
    %swap3A_190 = arith.constant 160 : index
    %swap3A_191 = tpu.vector_load %arg5[%swap3A_190] {strides = array<i32>} : memref<512xf32, #tpu.memory_space<vmem>>, vector<16xf32>,
    tpu.vector_store %arg5[%swap3A_190], %div3A_170 {strides = array<i32>} : memref<512xf32, #tpu.memory_space<vmem>>, vector<16xf32>,
    %swap3A_192 = arith.constant 176 : index
    %swap3A_193 = tpu.vector_load %arg5[%swap3A_192] {strides = array<i32>} : memref<512xf32, #tpu.memory_space<vmem>>, vector<16xf32>,
    tpu.vector_store %arg5[%swap3A_192], %div3A_170 {strides = array<i32>} : memref<512xf32, #tpu.memory_space<vmem>>, vector<16xf32>,
    %swap3A_194 = arith.constant 192 : index
    %swap3A_195 = tpu.vector_load %arg5[%swap3A_194] {strides = array<i32>} : memref<512xf32, #tpu.memory_space<vmem>>, vector<16xf32>,
    tpu.vector_store %arg5[%swap3A_194], %div3A_170 {strides = array<i32>} : memref<512xf32, #tpu.memory_space<vmem>>, vector<16xf32>,
    %swap3A_196 = arith.constant 208 : index
    %swap3A_197 = tpu.vector_load %arg5[%swap3A_196] {strides = array<i32>} : memref<512xf32, #tpu.memory_space<vmem>>, vector<16xf32>,
    tpu.vector_store %arg5[%swap3A_196], %div3A_170 {strides = array<i32>} : memref<512xf32, #tpu.memory_space<vmem>>, vector<16xf32>,
    %swap3A_198 = arith.constant 224 : index
    %swap3A_199 = tpu.vector_load %arg5[%swap3A_198] {strides = array<i32>} : memref<512xf32, #tpu.memory_space<vmem>>, vector<16xf32>,
    tpu.vector_store %arg5[%swap3A_198], %div3A_170 {strides = array<i32>} : memref<512xf32, #tpu.memory_space<vmem>>, vector<16xf32>,
    %swap3A_200 = arith.constant 240 : index
    %swap3A_201 = tpu.vector_load %arg5[%swap3A_200] {strides = array<i32>} : memref<512xf32, #tpu.memory_space<vmem>>, vector<16xf32>,
    tpu.vector_store %arg5[%swap3A_200], %div3A_170 {strides = array<i32>} : memref<512xf32, #tpu.memory_space<vmem>>, vector<16xf32>,
    %swap3A_202 = arith.constant 256 : index
    %swap3A_203 = tpu.vector_load %arg5[%swap3A_202] {strides = array<i32>} : memref<512xf32, #tpu.memory_space<vmem>>, vector<16xf32>,
    tpu.vector_store %arg5[%swap3A_202], %div3A_170 {strides = array<i32>} : memref<512xf32, #tpu.memory_space<vmem>>, vector<16xf32>,
    %swap3A_204 = arith.constant 272 : index
    %swap3A_205 = tpu.vector_load %arg5[%swap3A_204] {strides = array<i32>} : memref<512xf32, #tpu.memory_space<vmem>>, vector<16xf32>,
    tpu.vector_store %arg5[%swap3A_204], %div3A_170 {strides = array<i32>} : memref<512xf32, #tpu.memory_space<vmem>>, vector<16xf32>,
    %swap3A_206 = arith.constant 288 : index
    %swap3A_207 = tpu.vector_load %arg5[%swap3A_206] {strides = array<i32>} : memref<512xf32, #tpu.memory_space<vmem>>, vector<16xf32>,
    tpu.vector_store %arg5[%swap3A_206], %div3A_170 {strides = array<i32>} : memref<512xf32, #tpu.memory_space<vmem>>, vector<16xf32>,
    %swap3A_208 = arith.constant 304 : index
    %swap3A_209 = tpu.vector_load %arg5[%swap3A_208] {strides = array<i32>} : memref<512xf32, #tpu.memory_space<vmem>>, vector<16xf32>,
    tpu.vector_store %arg5[%swap3A_208], %div3A_170 {strides = array<i32>} : memref<512xf32, #tpu.memory_space<vmem>>, vector<16xf32>,
    %swap3A_210 = arith.constant 320 : index
    %swap3A_211 = tpu.vector_load %arg5[%swap3A_210] {strides = array<i32>} : memref<512xf32, #tpu.memory_space<vmem>>, vector<16xf32>,
    tpu.vector_store %arg5[%swap3A_210], %div3A_170 {strides = array<i32>} : memref<512xf32, #tpu.memory_space<vmem>>, vector<16xf32>,
    %swap3A_212 = arith.constant 336 : index
    %swap3A_213 = tpu.vector_load %arg5[%swap3A_212] {strides = array<i32>} : memref<512xf32, #tpu.memory_space<vmem>>, vector<16xf32>,
    tpu.vector_store %arg5[%swap3A_212], %div3A_170 {strides = array<i32>} : memref<512xf32, #tpu.memory_space<vmem>>, vector<16xf32>,
    %swap3A_214 = arith.constant 352 : index
    %swap3A_215 = tpu.vector_load %arg5[%swap3A_214] {strides = array<i32>} : memref<512xf32, #tpu.memory_space<vmem>>, vector<16xf32>,
    tpu.vector_store %arg5[%swap3A_214], %div3A_170 {strides = array<i32>} : memref<512xf32, #tpu.memory_space<vmem>>, vector<16xf32>,
    %swap3A_216 = arith.constant 368 : index
    %swap3A_217 = tpu.vector_load %arg5[%swap3A_216] {strides = array<i32>} : memref<512xf32, #tpu.memory_space<vmem>>, vector<16xf32>,
    tpu.vector_store %arg5[%swap3A_216], %div3A_170 {strides = array<i32>} : memref<512xf32, #tpu.memory_space<vmem>>, vector<16xf32>,
    %swap3A_218 = arith.constant 384 : index
    %swap3A_219 = tpu.vector_load %arg5[%swap3A_218] {strides = array<i32>} : memref<512xf32, #tpu.memory_space<vmem>>, vector<16xf32>,
    tpu.vector_store %arg5[%swap3A_218], %div3A_170 {strides = array<i32>} : memref<512xf32, #tpu.memory_space<vmem>>, vector<16xf32>,
    %swap3A_220 = arith.constant 400 : index
    %swap3A_221 = tpu.vector_load %arg5[%swap3A_220] {strides = array<i32>} : memref<512xf32, #tpu.memory_space<vmem>>, vector<16xf32>,
    tpu.vector_store %arg5[%swap3A_220], %div3A_170 {strides = array<i32>} : memref<512xf32, #tpu.memory_space<vmem>>, vector<16xf32>,
    %swap3A_222 = arith.constant 416 : index
    %swap3A_223 = tpu.vector_load %arg5[%swap3A_222] {strides = array<i32>} : memref<512xf32, #tpu.memory_space<vmem>>, vector<16xf32>,
    tpu.vector_store %arg5[%swap3A_222], %div3A_170 {strides = array<i32>} : memref<512xf32, #tpu.memory_space<vmem>>, vector<16xf32>,
    %swap3A_224 = arith.constant 432 : index
    %swap3A_225 = tpu.vector_load %arg5[%swap3A_224] {strides = array<i32>} : memref<512xf32, #tpu.memory_space<vmem>>, vector<16xf32>,
    tpu.vector_store %arg5[%swap3A_224], %div3A_170 {strides = array<i32>} : memref<512xf32, #tpu.memory_space<vmem>>, vector<16xf32>,
    %swap3A_226 = arith.constant 448 : index
    %swap3A_227 = tpu.vector_load %arg5[%swap3A_226] {strides = array<i32>} : memref<512xf32, #tpu.memory_space<vmem>>, vector<16xf32>,
    tpu.vector_store %arg5[%swap3A_226], %div3A_170 {strides = array<i32>} : memref<512xf32, #tpu.memory_space<vmem>>, vector<16xf32>,
    %swap3A_228 = arith.constant 464 : index
    %swap3A_229 = tpu.vector_load %arg5[%swap3A_228] {strides = array<i32>} : memref<512xf32, #tpu.memory_space<vmem>>, vector<16xf32>,
    tpu.vector_store %arg5[%swap3A_228], %div3A_170 {strides = array<i32>} : memref<512xf32, #tpu.memory_space<vmem>>, vector<16xf32>,
    %swap3A_230 = arith.constant 480 : index
    %swap3A_231 = tpu.vector_load %arg5[%swap3A_230] {strides = array<i32>} : memref<512xf32, #tpu.memory_space<vmem>>, vector<16xf32>,
    tpu.vector_store %arg5[%swap3A_230], %div3A_170 {strides = array<i32>} : memref<512xf32, #tpu.memory_space<vmem>>, vector<16xf32>,
    %swap3A_232 = arith.constant 496 : index
    %swap3A_233 = tpu.vector_load %arg5[%swap3A_232] {strides = array<i32>} : memref<512xf32, #tpu.memory_space<vmem>>, vector<16xf32>,
    tpu.vector_store %arg5[%swap3A_232], %div3A_170 {strides = array<i32>} : memref<512xf32, #tpu.memory_space<vmem>>, vector<16xf32>,
    "tpu.region"() ({
      %run_scoped3A = tpu.sem_alloc : memref<!tpu.dma_semaphore, #tpu.memory_space<semaphore_mem>>
      %dma_start3A = tpu.memref_slice %arg3[%mul3A_2] : memref<16384xf32, #tpu.memory_space<hbm>> -> memref<512xf32, #tpu.memory_space<hbm>>
      %dma_start3A_234 = tpu.memref_slice %arg3[%mul3A_2] : memref<16384xf32, #tpu.memory_space<hbm>> -> memref<512xf32, #tpu.memory_space<hbm>>
      tpu.enqueue_dma source(%arg5 : memref<512xf32, #tpu.memory_space<vmem>>) target(%dma_start3A_234 : memref<512xf32, #tpu.memory_space<hbm>>) target_semaphore(%run_scoped3A : memref<!tpu.dma_semaphore, #tpu.memory_space<semaphore_mem>>)
      %dma_wait3A = tpu.memref_slice %arg3[%mul3A_2] : memref<16384xf32, #tpu.memory_space<hbm>> -> memref<512xf32, #tpu.memory_space<hbm>>
      %dma_wait3A_235 = tpu.memref_slice %arg3[%mul3A_2] : memref<16384xf32, #tpu.memory_space<hbm>> -> memref<512xf32, #tpu.memory_space<hbm>>
      tpu.wait_dma2 semaphore(%run_scoped3A : memref<!tpu.dma_semaphore, #tpu.memory_space<semaphore_mem>>) src(%arg5 : memref<512xf32, #tpu.memory_space<vmem>>) dst(%dma_wait3A_235 : memref<512xf32, #tpu.memory_space<hbm>>)
      tpu.yield
    }) : () -> ()
    return
  }
}

#map = affine_map<(d0, d1) -> (0, 0)>
#map1 = affine_map<(d0, d1) -> (0)>
module attributes {stable_mosaic.version = 14 : i64} {
  func.func @_gather_dot(%arg0: i32, %arg1: i32, %arg2: memref<100000x64xf32, #tpu.memory_space<hbm>>, %arg3: memref<100000x64xf32, #tpu.memory_space<hbm>>, %arg4: memref<16384xi32, #tpu.memory_space<hbm>>, %arg5: memref<16384xi32, #tpu.memory_space<hbm>>, %arg6: memref<256x64xf32, #tpu.memory_space<hbm>>, %arg7: memref<32x16xf32, #tpu.memory_space<hbm>>, %arg8: memref<512xi32, #tpu.memory_space<smem>>, %arg9: memref<512xi32, #tpu.memory_space<smem>>, %arg10: memref<16x512xi32, #tpu.memory_space<vmem_shared>>, %arg11: memref<16x512xi32, #tpu.memory_space<vmem_shared>>, %arg12: memref<256x64xf32, #tpu.memory_space<vmem>>, %arg13: memref<256x64xf32, #tpu.memory_space<vmem>>, %arg14: memref<16xf32, #tpu.memory_space<vmem>>, %arg15: memref<!tpu.dma_semaphore, #tpu.memory_space<semaphore_mem>>, %arg16: memref<!tpu.dma_semaphore, #tpu.memory_space<semaphore_mem>>) attributes {dimension_semantics = [#tpu.dimension_semantics<core_parallel>, #tpu.dimension_semantics<subcore_parallel>], iteration_bounds = array<i64: 2, 16>, scalar_prefetch = 0 : i64, scratch_operands = 9 : i64, tpu.core_type = #tpu.core_type<sc_vector_subcore>, window_params = [{transform_indices = #map}, {transform_indices = #map}, {transform_indices = #map1}, {transform_indices = #map1}, {transform_indices = #map}, {transform_indices = #map}]} {
    %mul3A = arith.constant 2 : i32
    %mul3A_0 = arith.muli %arg1, %mul3A : i32
    %add3A = arith.addi %mul3A_0, %arg0 : i32
    %mul3A_1 = arith.constant 512 : i32
    %mul3A_2 = arith.muli %add3A, %mul3A_1 : i32
    "tpu.region"() ({
      %run_scoped3A = tpu.sem_alloc : memref<!tpu.dma_semaphore, #tpu.memory_space<semaphore_mem>>
      %dma_start3A = arith.constant 0 : i32
      %dma_start3A_33 = tpu.memref_slice %arg10[%arg1, %dma_start3A] : memref<16x512xi32, #tpu.memory_space<vmem_shared>> -> memref<1x512xi32, #tpu.memory_space<vmem_shared>>
      %dma_start3A_34 = tpu.memref_squeeze %dma_start3A_33 : memref<1x512xi32, #tpu.memory_space<vmem_shared>> -> memref<512xi32, #tpu.memory_space<vmem_shared>>
      %dma_start3A_35 = tpu.memref_slice %arg4[%mul3A_2] : memref<16384xi32, #tpu.memory_space<hbm>> -> memref<512xi32, #tpu.memory_space<hbm>>
      tpu.enqueue_dma source(%dma_start3A_35 : memref<512xi32, #tpu.memory_space<hbm>>) target(%dma_start3A_34 : memref<512xi32, #tpu.memory_space<vmem_shared>>) target_semaphore(%run_scoped3A : memref<!tpu.dma_semaphore, #tpu.memory_space<semaphore_mem>>)
      %dma_wait3A = arith.constant 0 : i32
      %dma_wait3A_36 = tpu.memref_slice %arg10[%arg1, %dma_wait3A] : memref<16x512xi32, #tpu.memory_space<vmem_shared>> -> memref<1x512xi32, #tpu.memory_space<vmem_shared>>
      %dma_wait3A_37 = tpu.memref_squeeze %dma_wait3A_36 : memref<1x512xi32, #tpu.memory_space<vmem_shared>> -> memref<512xi32, #tpu.memory_space<vmem_shared>>
      %dma_wait3A_38 = tpu.memref_slice %arg4[%mul3A_2] : memref<16384xi32, #tpu.memory_space<hbm>> -> memref<512xi32, #tpu.memory_space<hbm>>
      tpu.wait_dma2 semaphore(%run_scoped3A : memref<!tpu.dma_semaphore, #tpu.memory_space<semaphore_mem>>) src(%dma_wait3A_38 : memref<512xi32, #tpu.memory_space<hbm>>) dst(%dma_wait3A_37 : memref<512xi32, #tpu.memory_space<vmem_shared>>)
      tpu.yield
    }) : () -> ()
    "tpu.region"() ({
      %run_scoped3A = tpu.sem_alloc : memref<!tpu.dma_semaphore, #tpu.memory_space<semaphore_mem>>
      %dma_start3A = arith.constant 0 : i32
      %dma_start3A_33 = tpu.memref_slice %arg11[%arg1, %dma_start3A] : memref<16x512xi32, #tpu.memory_space<vmem_shared>> -> memref<1x512xi32, #tpu.memory_space<vmem_shared>>
      %dma_start3A_34 = tpu.memref_squeeze %dma_start3A_33 : memref<1x512xi32, #tpu.memory_space<vmem_shared>> -> memref<512xi32, #tpu.memory_space<vmem_shared>>
      %dma_start3A_35 = tpu.memref_slice %arg5[%mul3A_2] : memref<16384xi32, #tpu.memory_space<hbm>> -> memref<512xi32, #tpu.memory_space<hbm>>
      tpu.enqueue_dma source(%dma_start3A_35 : memref<512xi32, #tpu.memory_space<hbm>>) target(%dma_start3A_34 : memref<512xi32, #tpu.memory_space<vmem_shared>>) target_semaphore(%run_scoped3A : memref<!tpu.dma_semaphore, #tpu.memory_space<semaphore_mem>>)
      %dma_wait3A = arith.constant 0 : i32
      %dma_wait3A_36 = tpu.memref_slice %arg11[%arg1, %dma_wait3A] : memref<16x512xi32, #tpu.memory_space<vmem_shared>> -> memref<1x512xi32, #tpu.memory_space<vmem_shared>>
      %dma_wait3A_37 = tpu.memref_squeeze %dma_wait3A_36 : memref<1x512xi32, #tpu.memory_space<vmem_shared>> -> memref<512xi32, #tpu.memory_space<vmem_shared>>
      %dma_wait3A_38 = tpu.memref_slice %arg5[%mul3A_2] : memref<16384xi32, #tpu.memory_space<hbm>> -> memref<512xi32, #tpu.memory_space<hbm>>
      tpu.wait_dma2 semaphore(%run_scoped3A : memref<!tpu.dma_semaphore, #tpu.memory_space<semaphore_mem>>) src(%dma_wait3A_38 : memref<512xi32, #tpu.memory_space<hbm>>) dst(%dma_wait3A_37 : memref<512xi32, #tpu.memory_space<vmem_shared>>)
      tpu.yield
    }) : () -> ()
    "tpu.region"() ({
      %run_scoped3A = tpu.sem_alloc : memref<!tpu.dma_semaphore, #tpu.memory_space<semaphore_mem>>
      %dma_start3A = arith.constant 0 : i32
      %dma_start3A_33 = tpu.memref_slice %arg10[%arg1, %dma_start3A] : memref<16x512xi32, #tpu.memory_space<vmem_shared>> -> memref<1x512xi32, #tpu.memory_space<vmem_shared>>
      %dma_start3A_34 = tpu.memref_squeeze %dma_start3A_33 : memref<1x512xi32, #tpu.memory_space<vmem_shared>> -> memref<512xi32, #tpu.memory_space<vmem_shared>>
      tpu.enqueue_dma source(%dma_start3A_34 : memref<512xi32, #tpu.memory_space<vmem_shared>>) target(%arg8 : memref<512xi32, #tpu.memory_space<smem>>) target_semaphore(%run_scoped3A : memref<!tpu.dma_semaphore, #tpu.memory_space<semaphore_mem>>)
      %dma_wait3A = arith.constant 0 : i32
      %dma_wait3A_35 = tpu.memref_slice %arg10[%arg1, %dma_wait3A] : memref<16x512xi32, #tpu.memory_space<vmem_shared>> -> memref<1x512xi32, #tpu.memory_space<vmem_shared>>
      %dma_wait3A_36 = tpu.memref_squeeze %dma_wait3A_35 : memref<1x512xi32, #tpu.memory_space<vmem_shared>> -> memref<512xi32, #tpu.memory_space<vmem_shared>>
      tpu.wait_dma2 semaphore(%run_scoped3A : memref<!tpu.dma_semaphore, #tpu.memory_space<semaphore_mem>>) src(%dma_wait3A_36 : memref<512xi32, #tpu.memory_space<vmem_shared>>) dst(%arg8 : memref<512xi32, #tpu.memory_space<smem>>)
      tpu.yield
    }) : () -> ()
    "tpu.region"() ({
      %run_scoped3A = tpu.sem_alloc : memref<!tpu.dma_semaphore, #tpu.memory_space<semaphore_mem>>
      %dma_start3A = arith.constant 0 : i32
      %dma_start3A_33 = tpu.memref_slice %arg11[%arg1, %dma_start3A] : memref<16x512xi32, #tpu.memory_space<vmem_shared>> -> memref<1x512xi32, #tpu.memory_space<vmem_shared>>
      %dma_start3A_34 = tpu.memref_squeeze %dma_start3A_33 : memref<1x512xi32, #tpu.memory_space<vmem_shared>> -> memref<512xi32, #tpu.memory_space<vmem_shared>>
      tpu.enqueue_dma source(%dma_start3A_34 : memref<512xi32, #tpu.memory_space<vmem_shared>>) target(%arg9 : memref<512xi32, #tpu.memory_space<smem>>) target_semaphore(%run_scoped3A : memref<!tpu.dma_semaphore, #tpu.memory_space<semaphore_mem>>)
      %dma_wait3A = arith.constant 0 : i32
      %dma_wait3A_35 = tpu.memref_slice %arg11[%arg1, %dma_wait3A] : memref<16x512xi32, #tpu.memory_space<vmem_shared>> -> memref<1x512xi32, #tpu.memory_space<vmem_shared>>
      %dma_wait3A_36 = tpu.memref_squeeze %dma_wait3A_35 : memref<1x512xi32, #tpu.memory_space<vmem_shared>> -> memref<512xi32, #tpu.memory_space<vmem_shared>>
      tpu.wait_dma2 semaphore(%run_scoped3A : memref<!tpu.dma_semaphore, #tpu.memory_space<semaphore_mem>>) src(%dma_wait3A_36 : memref<512xi32, #tpu.memory_space<vmem_shared>>) dst(%arg9 : memref<512xi32, #tpu.memory_space<smem>>)
      tpu.yield
    }) : () -> ()
    %broadcast_in_dim3A = arith.constant 0.000000e+00 : f32
    %broadcast_in_dim3A_3 = vector.broadcast %broadcast_in_dim3A : f32 to vector<16xf32>
    %scan3A = arith.constant 0 : i32
    %scan3A_4 = arith.constant 0 : i32
    %scan3A_5 = arith.constant 256 : i32
    %scan3A_6 = arith.addi %scan3A_4, %scan3A_5 : i32
    %scan3A_7 = arith.constant 1 : i32
    scf.for %scan3A_33 = %scan3A_4 to %scan3A_6 step %scan3A_7  : i32 {
      %add3A_34 = arith.constant 0 : i32
      %add3A_35 = arith.addi %add3A_34, %scan3A_33 : i32
      %get3A = arith.index_cast %add3A_35 : i32 to index
      %get3A_36 = memref.load %arg8[%get3A] : memref<512xi32, #tpu.memory_space<smem>>
      %add3A_37 = arith.constant 0 : i32
      %add3A_38 = arith.addi %add3A_37, %scan3A_33 : i32
      %get3A_39 = arith.index_cast %add3A_38 : i32 to index
      %get3A_40 = memref.load %arg9[%get3A_39] : memref<512xi32, #tpu.memory_space<smem>>
      %dma_start3A = arith.constant 0 : i32
      %dma_start3A_41 = tpu.memref_slice %arg12[%scan3A_33, %dma_start3A] : memref<256x64xf32, #tpu.memory_space<vmem>> -> memref<1x64xf32, #tpu.memory_space<vmem>>
      %dma_start3A_42 = arith.constant 0 : i32
      %dma_start3A_43 = tpu.memref_slice %arg2[%get3A_36, %dma_start3A_42] : memref<100000x64xf32, #tpu.memory_space<hbm>> -> memref<1x64xf32, #tpu.memory_space<hbm>>
      %dma_start3A_44 = arith.constant 0 : i32
      %dma_start3A_45 = tpu.memref_slice %arg12[%scan3A_33, %dma_start3A_44] : memref<256x64xf32, #tpu.memory_space<vmem>> -> memref<1x64xf32, #tpu.memory_space<vmem>>
      %dma_start3A_46 = arith.constant 0 : i32
      %dma_start3A_47 = tpu.memref_slice %arg2[%get3A_36, %dma_start3A_46] : memref<100000x64xf32, #tpu.memory_space<hbm>> -> memref<1x64xf32, #tpu.memory_space<hbm>>
      tpu.enqueue_dma source(%dma_start3A_47 : memref<1x64xf32, #tpu.memory_space<hbm>>) target(%dma_start3A_45 : memref<1x64xf32, #tpu.memory_space<vmem>>) target_semaphore(%arg15 : memref<!tpu.dma_semaphore, #tpu.memory_space<semaphore_mem>>)
      %dma_start3A_48 = arith.constant 0 : i32
      %dma_start3A_49 = tpu.memref_slice %arg13[%scan3A_33, %dma_start3A_48] : memref<256x64xf32, #tpu.memory_space<vmem>> -> memref<1x64xf32, #tpu.memory_space<vmem>>
      %dma_start3A_50 = arith.constant 0 : i32
      %dma_start3A_51 = tpu.memref_slice %arg3[%get3A_40, %dma_start3A_50] : memref<100000x64xf32, #tpu.memory_space<hbm>> -> memref<1x64xf32, #tpu.memory_space<hbm>>
      %dma_start3A_52 = arith.constant 0 : i32
      %dma_start3A_53 = tpu.memref_slice %arg13[%scan3A_33, %dma_start3A_52] : memref<256x64xf32, #tpu.memory_space<vmem>> -> memref<1x64xf32, #tpu.memory_space<vmem>>
      %dma_start3A_54 = arith.constant 0 : i32
      %dma_start3A_55 = tpu.memref_slice %arg3[%get3A_40, %dma_start3A_54] : memref<100000x64xf32, #tpu.memory_space<hbm>> -> memref<1x64xf32, #tpu.memory_space<hbm>>
      tpu.enqueue_dma source(%dma_start3A_55 : memref<1x64xf32, #tpu.memory_space<hbm>>) target(%dma_start3A_53 : memref<1x64xf32, #tpu.memory_space<vmem>>) target_semaphore(%arg16 : memref<!tpu.dma_semaphore, #tpu.memory_space<semaphore_mem>>)
    }
    %scan3A_8 = arith.constant 256 : i32
    tpu.wait_dma2 semaphore(%arg15 : memref<!tpu.dma_semaphore, #tpu.memory_space<semaphore_mem>>) src(%arg6 : memref<256x64xf32, #tpu.memory_space<hbm>>) dst(%arg12 : memref<256x64xf32, #tpu.memory_space<vmem>>)
    tpu.wait_dma2 semaphore(%arg16 : memref<!tpu.dma_semaphore, #tpu.memory_space<semaphore_mem>>) src(%arg6 : memref<256x64xf32, #tpu.memory_space<hbm>>) dst(%arg13 : memref<256x64xf32, #tpu.memory_space<vmem>>)
    %scan3A_9 = arith.constant 0 : i32
    %scan3A_10 = arith.constant 256 : i32
    %scan3A_11 = arith.addi %scan3A_9, %scan3A_10 : i32
    %scan3A_12 = arith.constant 1 : i32
    %scan3A_13:4 = scf.for %scan3A_33 = %scan3A_9 to %scan3A_11 step %scan3A_12 iter_args(%scan3A_34 = %broadcast_in_dim3A_3, %scan3A_35 = %broadcast_in_dim3A_3, %scan3A_36 = %broadcast_in_dim3A_3, %scan3A_37 = %broadcast_in_dim3A_3) -> (vector<16xf32>, vector<16xf32>, vector<16xf32>, vector<16xf32>)  : i32 {
      %get3A = arith.index_cast %scan3A_33 : i32 to index
      %get3A_38 = arith.constant 0 : index
      %get3A_39 = tpu.vector_load %arg12[%get3A, %get3A_38] {strides = array<i32>} : memref<256x64xf32, #tpu.memory_space<vmem>>, vector<1x16xf32>,
      %get3A_40 = vector.shape_cast %get3A_39 : vector<1x16xf32> to vector<16xf32>
      %get3A_41 = arith.index_cast %scan3A_33 : i32 to index
      %get3A_42 = arith.constant 0 : index
      %get3A_43 = tpu.vector_load %arg13[%get3A_41, %get3A_42] {strides = array<i32>} : memref<256x64xf32, #tpu.memory_space<vmem>>, vector<1x16xf32>,
      %get3A_44 = vector.shape_cast %get3A_43 : vector<1x16xf32> to vector<16xf32>
      %mul3A_45 = arith.mulf %get3A_40, %get3A_44 : vector<16xf32>
      %add3A_46 = arith.addf %scan3A_34, %mul3A_45 : vector<16xf32>
      %get3A_47 = arith.index_cast %scan3A_33 : i32 to index
      %get3A_48 = arith.constant 16 : index
      %get3A_49 = tpu.vector_load %arg12[%get3A_47, %get3A_48] {strides = array<i32>} : memref<256x64xf32, #tpu.memory_space<vmem>>, vector<1x16xf32>,
      %get3A_50 = vector.shape_cast %get3A_49 : vector<1x16xf32> to vector<16xf32>
      %get3A_51 = arith.index_cast %scan3A_33 : i32 to index
      %get3A_52 = arith.constant 16 : index
      %get3A_53 = tpu.vector_load %arg13[%get3A_51, %get3A_52] {strides = array<i32>} : memref<256x64xf32, #tpu.memory_space<vmem>>, vector<1x16xf32>,
      %get3A_54 = vector.shape_cast %get3A_53 : vector<1x16xf32> to vector<16xf32>
      %mul3A_55 = arith.mulf %get3A_50, %get3A_54 : vector<16xf32>
      %add3A_56 = arith.addf %scan3A_35, %mul3A_55 : vector<16xf32>
      %get3A_57 = arith.index_cast %scan3A_33 : i32 to index
      %get3A_58 = arith.constant 32 : index
      %get3A_59 = tpu.vector_load %arg12[%get3A_57, %get3A_58] {strides = array<i32>} : memref<256x64xf32, #tpu.memory_space<vmem>>, vector<1x16xf32>,
      %get3A_60 = vector.shape_cast %get3A_59 : vector<1x16xf32> to vector<16xf32>
      %get3A_61 = arith.index_cast %scan3A_33 : i32 to index
      %get3A_62 = arith.constant 32 : index
      %get3A_63 = tpu.vector_load %arg13[%get3A_61, %get3A_62] {strides = array<i32>} : memref<256x64xf32, #tpu.memory_space<vmem>>, vector<1x16xf32>,
      %get3A_64 = vector.shape_cast %get3A_63 : vector<1x16xf32> to vector<16xf32>
      %mul3A_65 = arith.mulf %get3A_60, %get3A_64 : vector<16xf32>
      %add3A_66 = arith.addf %scan3A_36, %mul3A_65 : vector<16xf32>
      %get3A_67 = arith.index_cast %scan3A_33 : i32 to index
      %get3A_68 = arith.constant 48 : index
      %get3A_69 = tpu.vector_load %arg12[%get3A_67, %get3A_68] {strides = array<i32>} : memref<256x64xf32, #tpu.memory_space<vmem>>, vector<1x16xf32>,
      %get3A_70 = vector.shape_cast %get3A_69 : vector<1x16xf32> to vector<16xf32>
      %get3A_71 = arith.index_cast %scan3A_33 : i32 to index
      %get3A_72 = arith.constant 48 : index
      %get3A_73 = tpu.vector_load %arg13[%get3A_71, %get3A_72] {strides = array<i32>} : memref<256x64xf32, #tpu.memory_space<vmem>>, vector<1x16xf32>,
      %get3A_74 = vector.shape_cast %get3A_73 : vector<1x16xf32> to vector<16xf32>
      %mul3A_75 = arith.mulf %get3A_70, %get3A_74 : vector<16xf32>
      %add3A_76 = arith.addf %scan3A_37, %mul3A_75 : vector<16xf32>
      scf.yield %add3A_46, %add3A_56, %add3A_66, %add3A_76 : vector<16xf32>, vector<16xf32>, vector<16xf32>, vector<16xf32>
    }
    %scan3A_14 = arith.constant 256 : i32
    %scan3A_15 = arith.constant 0 : i32
    %scan3A_16 = arith.constant 0 : i32
    %scan3A_17 = arith.constant 256 : i32
    %scan3A_18 = arith.addi %scan3A_16, %scan3A_17 : i32
    %scan3A_19 = arith.constant 1 : i32
    scf.for %scan3A_33 = %scan3A_16 to %scan3A_18 step %scan3A_19  : i32 {
      %add3A_34 = arith.constant 256 : i32
      %add3A_35 = arith.addi %add3A_34, %scan3A_33 : i32
      %get3A = arith.index_cast %add3A_35 : i32 to index
      %get3A_36 = memref.load %arg8[%get3A] : memref<512xi32, #tpu.memory_space<smem>>
      %add3A_37 = arith.constant 256 : i32
      %add3A_38 = arith.addi %add3A_37, %scan3A_33 : i32
      %get3A_39 = arith.index_cast %add3A_38 : i32 to index
      %get3A_40 = memref.load %arg9[%get3A_39] : memref<512xi32, #tpu.memory_space<smem>>
      %dma_start3A = arith.constant 0 : i32
      %dma_start3A_41 = tpu.memref_slice %arg12[%scan3A_33, %dma_start3A] : memref<256x64xf32, #tpu.memory_space<vmem>> -> memref<1x64xf32, #tpu.memory_space<vmem>>
      %dma_start3A_42 = arith.constant 0 : i32
      %dma_start3A_43 = tpu.memref_slice %arg2[%get3A_36, %dma_start3A_42] : memref<100000x64xf32, #tpu.memory_space<hbm>> -> memref<1x64xf32, #tpu.memory_space<hbm>>
      %dma_start3A_44 = arith.constant 0 : i32
      %dma_start3A_45 = tpu.memref_slice %arg12[%scan3A_33, %dma_start3A_44] : memref<256x64xf32, #tpu.memory_space<vmem>> -> memref<1x64xf32, #tpu.memory_space<vmem>>
      %dma_start3A_46 = arith.constant 0 : i32
      %dma_start3A_47 = tpu.memref_slice %arg2[%get3A_36, %dma_start3A_46] : memref<100000x64xf32, #tpu.memory_space<hbm>> -> memref<1x64xf32, #tpu.memory_space<hbm>>
      tpu.enqueue_dma source(%dma_start3A_47 : memref<1x64xf32, #tpu.memory_space<hbm>>) target(%dma_start3A_45 : memref<1x64xf32, #tpu.memory_space<vmem>>) target_semaphore(%arg15 : memref<!tpu.dma_semaphore, #tpu.memory_space<semaphore_mem>>)
      %dma_start3A_48 = arith.constant 0 : i32
      %dma_start3A_49 = tpu.memref_slice %arg13[%scan3A_33, %dma_start3A_48] : memref<256x64xf32, #tpu.memory_space<vmem>> -> memref<1x64xf32, #tpu.memory_space<vmem>>
      %dma_start3A_50 = arith.constant 0 : i32
      %dma_start3A_51 = tpu.memref_slice %arg3[%get3A_40, %dma_start3A_50] : memref<100000x64xf32, #tpu.memory_space<hbm>> -> memref<1x64xf32, #tpu.memory_space<hbm>>
      %dma_start3A_52 = arith.constant 0 : i32
      %dma_start3A_53 = tpu.memref_slice %arg13[%scan3A_33, %dma_start3A_52] : memref<256x64xf32, #tpu.memory_space<vmem>> -> memref<1x64xf32, #tpu.memory_space<vmem>>
      %dma_start3A_54 = arith.constant 0 : i32
      %dma_start3A_55 = tpu.memref_slice %arg3[%get3A_40, %dma_start3A_54] : memref<100000x64xf32, #tpu.memory_space<hbm>> -> memref<1x64xf32, #tpu.memory_space<hbm>>
      tpu.enqueue_dma source(%dma_start3A_55 : memref<1x64xf32, #tpu.memory_space<hbm>>) target(%dma_start3A_53 : memref<1x64xf32, #tpu.memory_space<vmem>>) target_semaphore(%arg16 : memref<!tpu.dma_semaphore, #tpu.memory_space<semaphore_mem>>)
    }
    %scan3A_20 = arith.constant 256 : i32
    tpu.wait_dma2 semaphore(%arg15 : memref<!tpu.dma_semaphore, #tpu.memory_space<semaphore_mem>>) src(%arg6 : memref<256x64xf32, #tpu.memory_space<hbm>>) dst(%arg12 : memref<256x64xf32, #tpu.memory_space<vmem>>)
    tpu.wait_dma2 semaphore(%arg16 : memref<!tpu.dma_semaphore, #tpu.memory_space<semaphore_mem>>) src(%arg6 : memref<256x64xf32, #tpu.memory_space<hbm>>) dst(%arg13 : memref<256x64xf32, #tpu.memory_space<vmem>>)
    %scan3A_21 = arith.constant 0 : i32
    %scan3A_22 = arith.constant 256 : i32
    %scan3A_23 = arith.addi %scan3A_21, %scan3A_22 : i32
    %scan3A_24 = arith.constant 1 : i32
    %scan3A_25:4 = scf.for %scan3A_33 = %scan3A_21 to %scan3A_23 step %scan3A_24 iter_args(%scan3A_34 = %scan3A_13#0, %scan3A_35 = %scan3A_13#1, %scan3A_36 = %scan3A_13#2, %scan3A_37 = %scan3A_13#3) -> (vector<16xf32>, vector<16xf32>, vector<16xf32>, vector<16xf32>)  : i32 {
      %get3A = arith.index_cast %scan3A_33 : i32 to index
      %get3A_38 = arith.constant 0 : index
      %get3A_39 = tpu.vector_load %arg12[%get3A, %get3A_38] {strides = array<i32>} : memref<256x64xf32, #tpu.memory_space<vmem>>, vector<1x16xf32>,
      %get3A_40 = vector.shape_cast %get3A_39 : vector<1x16xf32> to vector<16xf32>
      %get3A_41 = arith.index_cast %scan3A_33 : i32 to index
      %get3A_42 = arith.constant 0 : index
      %get3A_43 = tpu.vector_load %arg13[%get3A_41, %get3A_42] {strides = array<i32>} : memref<256x64xf32, #tpu.memory_space<vmem>>, vector<1x16xf32>,
      %get3A_44 = vector.shape_cast %get3A_43 : vector<1x16xf32> to vector<16xf32>
      %mul3A_45 = arith.mulf %get3A_40, %get3A_44 : vector<16xf32>
      %add3A_46 = arith.addf %scan3A_34, %mul3A_45 : vector<16xf32>
      %get3A_47 = arith.index_cast %scan3A_33 : i32 to index
      %get3A_48 = arith.constant 16 : index
      %get3A_49 = tpu.vector_load %arg12[%get3A_47, %get3A_48] {strides = array<i32>} : memref<256x64xf32, #tpu.memory_space<vmem>>, vector<1x16xf32>,
      %get3A_50 = vector.shape_cast %get3A_49 : vector<1x16xf32> to vector<16xf32>
      %get3A_51 = arith.index_cast %scan3A_33 : i32 to index
      %get3A_52 = arith.constant 16 : index
      %get3A_53 = tpu.vector_load %arg13[%get3A_51, %get3A_52] {strides = array<i32>} : memref<256x64xf32, #tpu.memory_space<vmem>>, vector<1x16xf32>,
      %get3A_54 = vector.shape_cast %get3A_53 : vector<1x16xf32> to vector<16xf32>
      %mul3A_55 = arith.mulf %get3A_50, %get3A_54 : vector<16xf32>
      %add3A_56 = arith.addf %scan3A_35, %mul3A_55 : vector<16xf32>
      %get3A_57 = arith.index_cast %scan3A_33 : i32 to index
      %get3A_58 = arith.constant 32 : index
      %get3A_59 = tpu.vector_load %arg12[%get3A_57, %get3A_58] {strides = array<i32>} : memref<256x64xf32, #tpu.memory_space<vmem>>, vector<1x16xf32>,
      %get3A_60 = vector.shape_cast %get3A_59 : vector<1x16xf32> to vector<16xf32>
      %get3A_61 = arith.index_cast %scan3A_33 : i32 to index
      %get3A_62 = arith.constant 32 : index
      %get3A_63 = tpu.vector_load %arg13[%get3A_61, %get3A_62] {strides = array<i32>} : memref<256x64xf32, #tpu.memory_space<vmem>>, vector<1x16xf32>,
      %get3A_64 = vector.shape_cast %get3A_63 : vector<1x16xf32> to vector<16xf32>
      %mul3A_65 = arith.mulf %get3A_60, %get3A_64 : vector<16xf32>
      %add3A_66 = arith.addf %scan3A_36, %mul3A_65 : vector<16xf32>
      %get3A_67 = arith.index_cast %scan3A_33 : i32 to index
      %get3A_68 = arith.constant 48 : index
      %get3A_69 = tpu.vector_load %arg12[%get3A_67, %get3A_68] {strides = array<i32>} : memref<256x64xf32, #tpu.memory_space<vmem>>, vector<1x16xf32>,
      %get3A_70 = vector.shape_cast %get3A_69 : vector<1x16xf32> to vector<16xf32>
      %get3A_71 = arith.index_cast %scan3A_33 : i32 to index
      %get3A_72 = arith.constant 48 : index
      %get3A_73 = tpu.vector_load %arg13[%get3A_71, %get3A_72] {strides = array<i32>} : memref<256x64xf32, #tpu.memory_space<vmem>>, vector<1x16xf32>,
      %get3A_74 = vector.shape_cast %get3A_73 : vector<1x16xf32> to vector<16xf32>
      %mul3A_75 = arith.mulf %get3A_70, %get3A_74 : vector<16xf32>
      %add3A_76 = arith.addf %scan3A_37, %mul3A_75 : vector<16xf32>
      scf.yield %add3A_46, %add3A_56, %add3A_66, %add3A_76 : vector<16xf32>, vector<16xf32>, vector<16xf32>, vector<16xf32>
    }
    %scan3A_26 = arith.constant 256 : i32
    %add3A_27 = arith.addf %scan3A_25#0, %scan3A_25#1 : vector<16xf32>
    %add3A_28 = arith.addf %scan3A_25#2, %scan3A_25#3 : vector<16xf32>
    %add3A_29 = arith.addf %add3A_27, %add3A_28 : vector<16xf32>
    %swap3A = arith.constant 0 : index
    %swap3A_30 = tpu.vector_load %arg14[%swap3A] {strides = array<i32>} : memref<16xf32, #tpu.memory_space<vmem>>, vector<16xf32>,
    %swap3A_31 = vector.shape_cast %swap3A_30 : vector<16xf32> to vector<16xf32>
    %swap3A_32 = vector.shape_cast %add3A_29 : vector<16xf32> to vector<16xf32>
    tpu.vector_store %arg14[%swap3A], %swap3A_32 {strides = array<i32>} : memref<16xf32, #tpu.memory_space<vmem>>, vector<16xf32>,
    "tpu.region"() ({
      %run_scoped3A = tpu.sem_alloc : memref<!tpu.dma_semaphore, #tpu.memory_space<semaphore_mem>>
      %dma_start3A = arith.constant 0 : i32
      %dma_start3A_33 = tpu.memref_slice %arg7[%add3A, %dma_start3A] : memref<32x16xf32, #tpu.memory_space<hbm>> -> memref<1x16xf32, #tpu.memory_space<hbm>>
      %dma_start3A_34 = tpu.memref_squeeze %dma_start3A_33 : memref<1x16xf32, #tpu.memory_space<hbm>> -> memref<16xf32, #tpu.memory_space<hbm>>
      %dma_start3A_35 = arith.constant 0 : i32
      %dma_start3A_36 = tpu.memref_slice %arg7[%add3A, %dma_start3A_35] : memref<32x16xf32, #tpu.memory_space<hbm>> -> memref<1x16xf32, #tpu.memory_space<hbm>>
      %dma_start3A_37 = tpu.memref_squeeze %dma_start3A_36 : memref<1x16xf32, #tpu.memory_space<hbm>> -> memref<16xf32, #tpu.memory_space<hbm>>
      tpu.enqueue_dma source(%arg14 : memref<16xf32, #tpu.memory_space<vmem>>) target(%dma_start3A_37 : memref<16xf32, #tpu.memory_space<hbm>>) target_semaphore(%run_scoped3A : memref<!tpu.dma_semaphore, #tpu.memory_space<semaphore_mem>>)
      %dma_wait3A = arith.constant 0 : i32
      %dma_wait3A_38 = tpu.memref_slice %arg7[%add3A, %dma_wait3A] : memref<32x16xf32, #tpu.memory_space<hbm>> -> memref<1x16xf32, #tpu.memory_space<hbm>>
      %dma_wait3A_39 = tpu.memref_squeeze %dma_wait3A_38 : memref<1x16xf32, #tpu.memory_space<hbm>> -> memref<16xf32, #tpu.memory_space<hbm>>
      %dma_wait3A_40 = arith.constant 0 : i32
      %dma_wait3A_41 = tpu.memref_slice %arg7[%add3A, %dma_wait3A_40] : memref<32x16xf32, #tpu.memory_space<hbm>> -> memref<1x16xf32, #tpu.memory_space<hbm>>
      %dma_wait3A_42 = tpu.memref_squeeze %dma_wait3A_41 : memref<1x16xf32, #tpu.memory_space<hbm>> -> memref<16xf32, #tpu.memory_space<hbm>>
      tpu.wait_dma2 semaphore(%run_scoped3A : memref<!tpu.dma_semaphore, #tpu.memory_space<semaphore_mem>>) src(%arg14 : memref<16xf32, #tpu.memory_space<vmem>>) dst(%dma_wait3A_42 : memref<16xf32, #tpu.memory_space<hbm>>)
      tpu.yield
    }) : () -> ()
    return
  }
}

</mosaic_0001>

<sc_bundles>
// kernel: kernel.11.cloned.1.call-start
scs
__scs_entry_jumppad:
0x0: {  	(pc) =	sbr.rel $0x88, $3  }
0x1: {  	(tag) =	ssettag $0x0;
	lr =	simm.s32 $0x1  }
0x2: {  	[smem:$0x3F9E] =	sst lr;
	_ =	strace $0xD0000000  }
0x3: {  	_ = 	snop  }
0x4: {  	_ = 	snop  }
0x5: {  	_ = 	snop  }
0x6: {  	_ = 	snop  }
0x7: {  	_ = 	snop  }
__scs_overlays_trampoline_lowered:
0x8: {  	[smem:$0x3FAD] =	sst s0  }
0x9: {  	[smem:$0x3FAE] =	sst s1  }
0xa: {  	[smem:$0x3FAF] =	sst s2  }
0xb: {  	[smem:$0x3FB0] =	sst s3  }
0xc: {  	[smem:$0x3FB1] =	sst s4  }
0xd: {  	[smem:$0x3FB2] =	sst s5  }
0xe: {  	[smem:$0x3FB3] =	sst s6  }
0xf: {  	[smem:$0x3FB4] =	sst s7  }
0x10: {  	[smem:$0x3FB5] =	sst s8  }
0x11: {  	[smem:$0x3FB6] =	sst s9;
	s0 =	simm.s32 @!p0 $0x0  }
0x12: {  	s1 =	sld [smem:$0x3F9C];
	s0 =	simm.s32 @p0 $0x1  }
0x13: {  	[smem:$0x3FB7] =	sst s0;
	s0 =	simm.s32 @!p1 $0x0  }
0x14: {  	s2 =	sld [smem:$0x3F9B];
	s0 =	simm.s32 @p1 $0x1  }
0x15: {  	[smem:$0x3FB8] =	sst s0;
	s0 =	simm.s32 @!p2 $0x0  }
0x16: {  	s3 =	sld [smem:$0x3FDB];
	s0 =	simm.s32 @p2 $0x1  }
0x17: {  	s4 =	simm.s32 $0x1BF5;
	[smem:$0x3FBA] =	sst s0  }
0x18: {  	s0 =	sld [smem:$0x3F9D];
	_ =	swait.ge [sflag:s4], $0x0  }
0x19: {  	s7 =	sld [smem:$0x3F9E]  }
0x1a: {  	s8 =	sadd.s32 $0xFFFFE003, lr  }
0x1b: {  	s9 =	sadd.s32 $0xFFFFFEF7, lr;
	s5 =	simm.s32 $0xFFFFFFFF;
	p2 =	slt.u32 s8, $0xFFFFF086  }
0x1c: {  	p1 =	slt.u32 s9, $0xF7A;
	s5 =	simm.s32 @!p2 $0x0  }
0x1d: {  	s5 =	simm.s32 @p1 $0x1;
	p0 =	seq.s32 s7, s2  }
0x1e: {  	s7 =	smul.u32 @!p0 $0xF7A, s2;
	p2 =	seq.s32 @!p0 s5, $0x0  }
0x1f: {  	s9 =	smul.u32 $0xF7A, s1;
	s8 =	simm.s32 @!p0 $0x1BF5;
	p2 =	por !p2, p0  }
0x20: {  	[sflag:s8] =	ssyncset.s32 @!p0 $0xFFFFF086;
	s6 =	sadd.s32 @!p0 s3, s7;
	s7 =	simm.s32 @!p0 $0x108  }
0x21: {  	s3 =	sadd.s32 s3, s9;
	s6 =	sadd.s32 @!p0 $0x88, s6;
	s7 =	simm.s32 @p2 $0x1082  }
0x22: {  	[simem:s7], [sflag:s8] =	dma.local @!p0 [hbm:s6], $0xF7A  }
0x23: {  	s9 =	sor.u32 $0xD0000000, s2;
	s6 =	simm.s32 $0x108;
	_ =	swait.ge @!p0 [sflag:s8], $0x0  }
0x24: {  	s3 =	sadd.s32 $0x88, s3;
	s6 =	simm.s32 @!p1 $0x1082;
	[sflag:s4] =	ssyncset.s32 $0xFFFFF086  }
0x25: {  	[simem:s6], [sflag:s4] =	dma.local [hbm:s3], $0xF7A  }
0x26: {  	[smem:$0x3F9E] =	sst s1;
	(tag) =	ssettag s2;
	_ =	strace s9  }
0x27: {  	s1 =	sld [smem:$0x3FAE]  }
0x28: {  	s2 =	sld [smem:$0x3FAF]  }
0x29: {  	s4 =	sld [smem:$0x3FB1]  }
0x2a: {  	p0 =	seq.s32 s5, $0x0;
	s5 =	sld [smem:$0x3FB2]  }
0x2b: {  	s6 =	sld [smem:$0x3FB3]  }
0x2c: {  	s7 =	sld [smem:$0x3FB4]  }
0x2d: {  	s3 =	simm.s32 $0x108;
	s8 =	sld [smem:$0x3FB5]  }
0x2e: {  	s3 =	simm.s32 @!p0 $0x1082;
	s9 =	sld [smem:$0x3FB6]  }
0x2f: {  	lr =	sadd.s32 s0, s3;
	s0 =	sld [smem:$0x3FAD]  }
0x30: {  	s3 =	sld [smem:$0x3FB0]  }
0x31: {  	[smem:$0x3FB9] =	sst s10  }
0x32: {  	s10 =	sld [smem:$0x3FB7];
	_ =	sdelay $0x3  }
0x33: {  	p0 =	seq.s32 s10, $0x1;
	s10 =	sld [smem:$0x3FB9];
	_ =	sdelay $0x3  }
0x34: {  	[smem:$0x3FB9] =	sst s10  }
0x35: {  	s10 =	sld [smem:$0x3FB8];
	_ =	sdelay $0x3  }
0x36: {  	p1 =	seq.s32 s10, $0x1;
	s10 =	sld [smem:$0x3FB9];
	_ =	sdelay $0x3  }
0x37: {  	[smem:$0x3FB9] =	sst s10  }
0x38: {  	s10 =	sld [smem:$0x3FBA]  }
0x39: {  	_ = 	snop;
	(pc) =	sbr.ind lr, $3  }
0x3a: {  	_ = 	snop  }
0x3b: {  	_ = 	snop  }
0x3c: {  	p2 =	seq.s32 s10, $0x1;
	s10 =	sld [smem:$0x3FB9]  }
0x3d: {  	_ =	shalt  }
0x3e: {  	_ =	shalt  }
0x3f: {  	_ =	shalt  }
0x40: {  	_ =	shalt  }
0x41: {  	_ =	shalt  }
0x42: {  	_ =	shalt  }
0x43: {  	_ =	shalt  }
0x44: {  	_ =	shalt  }
0x45: {  	_ =	shalt  }
0x46: {  	_ =	shalt  }
0x47: {  	_ =	shalt  }
0x48: {  	_ =	shalt  }
0x49: {  	_ =	shalt  }
0x4a: {  	_ =	shalt  }
0x4b: {  	_ =	shalt  }
0x4c: {  	_ =	shalt  }
0x4d: {  	_ =	shalt  }
0x4e: {  	_ =	shalt  }
0x4f: {  	_ =	shalt  }
0x50: {  	_ =	shalt  }
0x51: {  	_ =	shalt  }
0x52: {  	_ =	shalt  }
0x53: {  	_ =	shalt  }
0x54: {  	_ =	shalt  }
0x55: {  	_ =	shalt  }
0x56: {  	_ =	shalt  }
0x57: {  	_ =	shalt  }
0x58: {  	_ =	shalt  }
0x59: {  	_ =	shalt  }
0x5a: {  	_ =	shalt  }
0x5b: {  	_ =	shalt  }
0x5c: {  	_ =	shalt  }
0x5d: {  	_ =	shalt  }
0x5e: {  	_ =	shalt  }
0x5f: {  	_ =	shalt  }
0x60: {  	_ =	shalt  }
0x61: {  	_ =	shalt  }
0x62: {  	_ =	shalt  }
0x63: {  	_ =	shalt  }
0x64: {  	_ =	shalt  }
0x65: {  	_ =	shalt  }
0x66: {  	_ =	shalt  }
0x67: {  	_ =	shalt  }
0x68: {  	_ =	shalt  }
0x69: {  	_ =	shalt  }
0x6a: {  	_ =	shalt  }
0x6b: {  	_ =	shalt  }
0x6c: {  	_ =	shalt  }
0x6d: {  	_ =	shalt  }
0x6e: {  	_ =	shalt  }
0x6f: {  	_ =	shalt  }
0x70: {  	_ =	shalt  }
0x71: {  	_ =	shalt  }
0x72: {  	_ =	shalt  }
0x73: {  	_ =	shalt  }
0x74: {  	_ =	shalt  }
0x75: {  	_ =	shalt  }
0x76: {  	_ =	shalt  }
0x77: {  	_ =	shalt  }
0x78: {  	_ =	shalt  }
0x79: {  	_ =	shalt  }
0x7a: {  	_ =	shalt  }
0x7b: {  	_ =	shalt  }
0x7c: {  	_ =	shalt  }
0x7d: {  	_ =	shalt  }
0x7e: {  	_ =	shalt  }
0x7f: {  	_ =	shalt  }
0x80: {  	_ =	shalt  }
0x81: {  	_ =	shalt  }
0x82: {  	_ =	shalt  }
0x83: {  	_ =	shalt  }
0x84: {  	_ =	shalt  }
0x85: {  	_ =	shalt  }
0x86: {  	_ =	shalt  }
0x87: {  	_ =	shalt  }
.Lfunc_end0:
.L_simem_size_0:
called_computation.2_lowered:
.L_overlay_start_0:
0x88: {  	s2 =	sld [smem:$0x3FD9]  }
0x89: {  	s3 =	sld [smem:$0x3FFE];
	_ =	sdelay $0x1  }
0x8a: {  	s1 =	srdreg.scid  }
0x8b: {  	s0 =	sand.u32 $0x1, s1  }
0x8c: {  	s17 =	sshll.u32 s0, $0xA;
	s2 =	sadd.s32 s3, s2  }
0x8d: {  	s2 =	sadd.s32 s2, s17  }
0x8e: {  	[smem:$0x3FC5] =	sst s2  }
0x8f: {  	_ = 	snop  }
0x90: {  	s2 =	sld [smem:$0x3FD0];
	(tm) =	ssettm $0x1  }
0x91: {  	s18 =	sld [smem:$0x3FFB];
	_ =	sdelay $0x3  }
0x92: {  	_ =	strace s18  }
0x93: {  	s3 =	sld [smem:$0x3FFC];
	_ =	sdelay $0x3  }
0x94: {  	_ =	strace s3  }
0x95: {  	s3 =	sld [smem:$0x3FFD];
	_ =	sdelay $0x3  }
0x96: {  	_ =	strace s3  }
0x97: {  	_ =	strace $0x8FFFFFFF  }
0x98: {  	s19 =	sld [smem:$0x3FDB];
	_ =	sdelay $0x1  }
0x99: {  	s4 =	simm.s32 $_scs_section_size  }
0x9a: {  	s5 =	simm.s32 $_size__tile_overlayer_lowered;
	s6 =	simm.s32 $_tile_overlayer_lowered  }
0x9b: {  	s22 =	simm.s32 $0x1BFF;
	s21 =	sshll.u32 s6, $0x1;
	s3 =	sadd.s32 s4, s19  }
0x9c: {  	s7 =	simm.s32 $0x0;
	s20 =	sshll.u32 s5, $0x1;
	s5 =	sadd.s32 s21, s3  }
0x9d: {  	[timem:s7], [sflag:s22] =	dma.local [hbm:s5], s20  }
0x9e: {  	_ =	swait.ge [sflag:s22], s20  }
0x9f: {  	s4 =	ssub.s32 $0x0, s20;
	[sflag:s22] =	ssyncset.done $0x0  }
0xa0: {  	[sflag:s22] =	ssyncadd.s32 s4;
	_ =	sdelay $0x1  }
0xa1: {  	s23 =	simm.s32 $0x1B8B  }
0xa2: {  	_ =	swait.ge [sflag:s23], $0x1  }
0xa3: {  	[sflag:s23] =	ssyncset.done $0x0  }
0xa4: {  	s25 =	simm.s32 $0x1B8E;
	s24 =	sld [smem:$0x3FFE];
	[sflag:s23] =	ssyncadd.s32 $0xFFFFFFFF  }
0xa5: {  	s26 =	simm.s32 $execute0_lowered;
	[smem:$0x3FD2] =	sst s25  }
0xa6: {  	s5 =	sshll.u32 s26, $0x1;
	_ =	strace $0x8000004C;
	[dreg:$0x1] =	wrdreg $0xFFFFFFFF  }
0xa7: {  	s28 =	simm.s32 $_size_execute0_lowered;
	s3 =	sadd.s32 s3, s5;
	[dreg:$0x0] =	wrdreg $0x0  }
0xa8: {  	s5 =	sshll.u32 s28, $0x1;
	[dreg:$0x2] =	wrdreg s3  }
0xa9: {  	[dreg:$0x3] =	wrdreg s5  }
0xaa: {  	[dreg:$0x4] =	wrdreg $0xC0  }
0xab: {  	_ =	task [dreg:s7], $0x5FFFF  }
0xac: {  	[dreg:$0x1] =	wrdreg $0xFFFFFFFF  }
0xad: {  	[dreg:$0x0] =	wrdreg $0x60  }
0xae: {  	[dreg:$0x2] =	wrdreg s24  }
0xaf: {  	[dreg:$0x3] =	wrdreg s2  }
0xb0: {  	[dreg:$0x4] =	wrdreg $0x9  }
0xb1: {  	_ =	task.clear_ibuf [dreg:s7], $0x5FFFF;
	_ =	strace $0x9000004C  }
0xb2: {  	s29 =	simm.s32 $0x9;
	_ =	strace $0x8000004E  }
0xb3: {  	_ =	swait.ge [sflag:s29], $0x1  }
0xb4: {  	[sflag:s29] =	ssyncadd.s32 $0xFFFFFFFF  }
0xb5: {  	_ =	strace $0x9000004E  }
0xb6: {  	_ =	sfence  }
0xb7: {  	s30 =	sld [smem:$0x0];
	_ =	sdelay $0x2  }
0xb8: {  	s31 =	sshll.u32 s1, $0xD;
	s1 =	sshrl.u32 s1, $0x2  }
0xb9: {  	s3 =	sand.u32 $0x4000, s31;
	s1 =	sadd.s32 s1, s30  }
0xba: {  	s0 =	sor.u32 s3, s0;
	s1 =	sshll.u32 s1, $0x11  }
0xbb: {  	s0 =	sor.u32 s1, s0  }
0xbc: {  	s0 =	sadd.s32 $0x8F2B, s0  }
0xbd: {  	[sflag:s0] =	ssyncadd.remote.s32 $0x1  }
0xbe: {  	_ =	sfence.sel $0xFFFF  }
0xbf: {  	[dreg:$0x0] =	wrdreg $0xFFFFFFFF;
	(pc) =	sbr.abs _section_cstart, $3  }
0xc0: {  	[dreg:$0x1] =	wrdreg $0xFFFFFFFF  }
0xc1: {  	_ =	task.clear_ibuf [dreg:s7], $0x2FFFF;
	_ =	strace $0x9FFFFFFF  }
0xc2: {  	(tm) =	ssettm $0x7FFFFFFF  }
0xc3: {  	_ =	shalt  }
tec
execute0_lowered:
.L_overlay_start_1:
0x0: {  	(tag) =	ssettag $0x1  }
0x1: {  	s2 =	rddreg [dreg:$0x0]  }
0x2: {  	s5 =	rddreg [dreg:$0x1]  }
0x3: {  	s0 =	rddreg [dreg:$0x2];
	s1 =	simm.s32 $0x0  }
0x4: {  	[smem:$0x7FF] =	sst s1  }
0x5: {  	s3 =	sadd.s32 $0x2400, s2;
	s2 =	simm.s32 $0x1;
	_ =	strace $0x8000004D  }
0x6: {  	[tilespmem:s1], [sflag:$0x1] =	stream.linear.gather [hbm4b:s3+s1], $0x1000, $0x38;
	[tilespmem:$0x1200] =	vst v63  }
0x7: {  	_ =	swait.ge [sflag:s2], $0x1000  }
0x8: {  	[sflag:s2] =	ssyncset.done $0x0  }
0x9: {  	[sflag:s2] =	ssyncadd.s32 $0xFFFFF000  }
0xa: {  	v0 =	vld [tilespmem:$0x0]  }
0xb: {  	v1 =	vld [tilespmem:$0x80];
	_ =	sdelay $0x1  }
0xc: {  	v2 =	vld [tilespmem:$0x100];
	_ =	sdelay $0x1  }
0xd: {  	v3 =	vld [tilespmem:$0x180]  }
0xe: {  	v0 =	vadd.f32 v1, v0  }
0xf: {  	v1 =	vld [tilespmem:$0x200]  }
0x10: {  	v0 =	vadd.f32 v2, v0  }
0x11: {  	v2 =	vld [tilespmem:$0x280]  }
0x12: {  	v0 =	vadd.f32 v3, v0  }
0x13: {  	v3 =	vld [tilespmem:$0x300]  }
0x14: {  	v0 =	vadd.f32 v1, v0  }
0x15: {  	v1 =	vld [tilespmem:$0x380]  }
0x16: {  	v0 =	vadd.f32 v2, v0  }
0x17: {  	v2 =	vld [tilespmem:$0x400]  }
0x18: {  	v0 =	vadd.f32 v3, v0  }
0x19: {  	v3 =	vld [tilespmem:$0x480]  }
0x1a: {  	v0 =	vadd.f32 v1, v0  }
0x1b: {  	v1 =	vld [tilespmem:$0x500]  }
0x1c: {  	v0 =	vadd.f32 v2, v0  }
0x1d: {  	v2 =	vld [tilespmem:$0x580]  }
0x1e: {  	v0 =	vadd.f32 v3, v0  }
0x1f: {  	v3 =	vld [tilespmem:$0x600]  }
0x20: {  	v0 =	vadd.f32 v1, v0  }
0x21: {  	v1 =	vld [tilespmem:$0x680]  }
0x22: {  	v0 =	vadd.f32 v2, v0  }
0x23: {  	v2 =	vld [tilespmem:$0x700]  }
0x24: {  	v0 =	vadd.f32 v3, v0  }
0x25: {  	v3 =	vld [tilespmem:$0x780]  }
0x26: {  	v0 =	vadd.f32 v1, v0  }
0x27: {  	v1 =	vld [tilespmem:$0x800]  }
0x28: {  	v0 =	vadd.f32 v2, v0  }
0x29: {  	v2 =	vld [tilespmem:$0x880]  }
0x2a: {  	v0 =	vadd.f32 v3, v0  }
0x2b: {  	v3 =	vld [tilespmem:$0x900]  }
0x2c: {  	v0 =	vadd.f32 v1, v0  }
0x2d: {  	v1 =	vld [tilespmem:$0x980]  }
0x2e: {  	v0 =	vadd.f32 v2, v0  }
0x2f: {  	v2 =	vld [tilespmem:$0xA00]  }
0x30: {  	v0 =	vadd.f32 v3, v0  }
0x31: {  	v3 =	vld [tilespmem:$0xA80]  }
0x32: {  	v0 =	vadd.f32 v1, v0  }
0x33: {  	v1 =	vld [tilespmem:$0xB00]  }
0x34: {  	v0 =	vadd.f32 v2, v0  }
0x35: {  	v2 =	vld [tilespmem:$0xB80]  }
0x36: {  	v0 =	vadd.f32 v3, v0  }
0x37: {  	v3 =	vld [tilespmem:$0xC00]  }
0x38: {  	v0 =	vadd.f32 v1, v0  }
0x39: {  	v1 =	vld [tilespmem:$0xC80]  }
0x3a: {  	v0 =	vadd.f32 v2, v0  }
0x3b: {  	v2 =	vld [tilespmem:$0xD00]  }
0x3c: {  	v0 =	vadd.f32 v3, v0  }
0x3d: {  	v3 =	vld [tilespmem:$0xD80]  }
0x3e: {  	v0 =	vadd.f32 v1, v0  }
0x3f: {  	v1 =	vld [tilespmem:$0xE00]  }
0x40: {  	v0 =	vadd.f32 v2, v0  }
0x41: {  	v2 =	vld [tilespmem:$0xE80]  }
0x42: {  	v0 =	vadd.f32 v3, v0  }
0x43: {  	v3 =	vld [tilespmem:$0xF00]  }
0x44: {  	v0 =	vadd.f32 v1, v0  }
0x45: {  	v1 =	vld [tilespmem:$0xF80]  }
0x46: {  	v0 =	vadd.f32 v2, v0;
	_ =	sdelay $0x1  }
0x47: {  	v0 =	vadd.f32 v3, v0;
	_ =	sdelay $0x1  }
0x48: {  	v0 =	vadd.f32 v1, v0;
	_ =	sdelay $0x1  }
0x49: {  	(xrf2) =	vadd.scan.msk.f32 $0xffff, v0;
	_ =	sdelay $0x9  }
0x4a: {  	v0, _, _ =	vpop (xrf2)  }
0x4b: {  	v0 =	vsub.f32 $0.0e+00, v0;
	_ =	sdelay $0x1  }
0x4c: {  	v0 =	vmul.f32 $1.442695020e+00, v0;
	_ =	sdelay $0x1  }
0x4d: {  	v0 =	vbroadcast v0, $0xF;
	_ =	sdelay $0x1  }
0x4e: {  	(erf) = vpow2.f32 v0;
	_ =	sdelay $0x8  }
0x4f: {  	v0 =	vpop (erf)  }
0x50: {  	v0 =	vadd.f32 $1.000000000e+00, v0;
	_ =	sdelay $0x1  }
0x51: {  	(erf) = vrcp.f32 v0  }
0x52: {  	s4 =	srdreg.scid  }
0x53: {  	s6 =	sand.u32 $0x1, s4  }
0x54: {  	s4 =	ssub.s32 $0x2, s6  }
0x55: {  	s7 =	sshrl.u32 s4, $0x1  }
0x56: {  	s7 =	ssub.s32 s4, s7  }
0x57: {  	s7 =	smax.u32 s7, $0x1  }
0x58: {  	p0 =	sne.s32 s7, $0x1  }
.Ltmp0:
0x59: {  	_ = 	snop;
	(pc) =	sbr.rel @!p0 .LBB2_2-.Ltmp0, $4  }
0x5a: {  	v0 =	vpop (erf)  }
0x5b: {  	s6 =	sshll.u32 s6, $0x6;
	s4 =	stileid.u32;
	[tilespmem:$0x11F0] =	vst v0  }
0x5c: {  	s5 =	sadd.s32 s5, s6;
	s31 =	sshll.u32 s4, $0x7;
	[tilespmem:$0x11E0] =	vst v0  }
0x5d: {  	s6 =	simm.s32 $0x1000;
	s5 =	sadd.s32 s31, s5;
	s7 =	sadd.s32 $0xFFFFFFFF, s7;
	[tilespmem:$0x11D0] =	vst v0  }
.LBB2_1:
0x5e: {  	p0 =	sne.s32 s7, $0x1;
	s7 =	sadd.s32 $0xFFFFFFFF, s7;
	[tilespmem:$0x11C0] =	vst v0  }
0x5f: {  	[tilespmem:$0x11B0] =	vst v0  }
0x60: {  	[tilespmem:$0x11A0] =	vst v0  }
0x61: {  	[tilespmem:$0x1190] =	vst v0  }
0x62: {  	[tilespmem:$0x1180] =	vst v0  }
0x63: {  	[tilespmem:$0x1170] =	vst v0  }
0x64: {  	[tilespmem:$0x1160] =	vst v0  }
0x65: {  	[tilespmem:$0x1150] =	vst v0  }
0x66: {  	[tilespmem:$0x1140] =	vst v0  }
0x67: {  	[tilespmem:$0x1130] =	vst v0  }
0x68: {  	[tilespmem:$0x1120] =	vst v0  }
0x69: {  	[tilespmem:$0x1110] =	vst v0  }
0x6a: {  	[tilespmem:$0x1100] =	vst v0  }
0x6b: {  	[tilespmem:$0x10F0] =	vst v0  }
0x6c: {  	[tilespmem:$0x10E0] =	vst v0  }
0x6d: {  	[tilespmem:$0x10D0] =	vst v0  }
0x6e: {  	[tilespmem:$0x10C0] =	vst v0  }
0x6f: {  	[tilespmem:$0x10B0] =	vst v0  }
0x70: {  	[tilespmem:$0x10A0] =	vst v0  }
0x71: {  	[tilespmem:$0x1090] =	vst v0  }
0x72: {  	[tilespmem:$0x1080] =	vst v0  }
0x73: {  	[tilespmem:$0x1070] =	vst v0  }
0x74: {  	[tilespmem:$0x1060] =	vst v0  }
0x75: {  	[tilespmem:$0x1050] =	vst v0  }
0x76: {  	[tilespmem:$0x1040] =	vst v0  }
0x77: {  	[tilespmem:$0x1030] =	vst v0  }
0x78: {  	[tilespmem:$0x1020] =	vst v0  }
0x79: {  	[tilespmem:$0x1000] =	vst v0  }
0x7a: {  	[tilespmem:$0x1010] =	vst v0  }
0x7b: {  	[hbm4b:s5+s1] =	stream.linear.scatter [tilespmem:s6], [sflag:$0x1], $0x200, $0x38;
	[tilespmem:$0x1200] =	vst v63  }
0x7c: {  	_ =	swait.ge [sflag:s2], $0x200  }
0x7d: {  	[sflag:s2] =	ssyncset.done $0x0  }
0x7e: {  	[sflag:s2] =	ssyncadd.s32 $0xFFFFFE00  }
0x7f: {  	[tilespmem:s1], [sflag:$0x1] =	stream.linear.gather [hbm4b:s3+s1], $0x1000, $0x38;
	[tilespmem:$0x1200] =	vst v63  }
0x80: {  	_ =	swait.ge [sflag:s2], $0x1000  }
0x81: {  	[sflag:s2] =	ssyncset.done $0x0  }
0x82: {  	[sflag:s2] =	ssyncadd.s32 $0xFFFFF000  }
0x83: {  	v0 =	vld [tilespmem:$0x0]  }
0x84: {  	v1 =	vld [tilespmem:$0x80];
	_ =	sdelay $0x1  }
0x85: {  	v2 =	vld [tilespmem:$0x100];
	_ =	sdelay $0x1  }
0x86: {  	v3 =	vld [tilespmem:$0x180]  }
0x87: {  	v0 =	vadd.f32 v1, v0  }
0x88: {  	v1 =	vld [tilespmem:$0x200]  }
0x89: {  	v0 =	vadd.f32 v2, v0  }
0x8a: {  	v2 =	vld [tilespmem:$0x280]  }
0x8b: {  	v0 =	vadd.f32 v3, v0  }
0x8c: {  	v3 =	vld [tilespmem:$0x300]  }
0x8d: {  	v0 =	vadd.f32 v1, v0  }
0x8e: {  	v1 =	vld [tilespmem:$0x380]  }
0x8f: {  	v0 =	vadd.f32 v2, v0  }
0x90: {  	v2 =	vld [tilespmem:$0x400]  }
0x91: {  	v0 =	vadd.f32 v3, v0  }
0x92: {  	v3 =	vld [tilespmem:$0x480]  }
0x93: {  	v0 =	vadd.f32 v1, v0  }
0x94: {  	v1 =	vld [tilespmem:$0x500]  }
0x95: {  	v0 =	vadd.f32 v2, v0  }
0x96: {  	v2 =	vld [tilespmem:$0x580]  }
0x97: {  	v0 =	vadd.f32 v3, v0  }
0x98: {  	v3 =	vld [tilespmem:$0x600]  }
0x99: {  	v0 =	vadd.f32 v1, v0  }
0x9a: {  	v1 =	vld [tilespmem:$0x680]  }
0x9b: {  	v0 =	vadd.f32 v2, v0  }
0x9c: {  	v2 =	vld [tilespmem:$0x700]  }
0x9d: {  	v0 =	vadd.f32 v3, v0  }
0x9e: {  	v3 =	vld [tilespmem:$0x780]  }
0x9f: {  	v0 =	vadd.f32 v1, v0  }
0xa0: {  	v1 =	vld [tilespmem:$0x800]  }
0xa1: {  	v0 =	vadd.f32 v2, v0  }
0xa2: {  	v2 =	vld [tilespmem:$0x880]  }
0xa3: {  	v0 =	vadd.f32 v3, v0  }
0xa4: {  	v3 =	vld [tilespmem:$0x900]  }
0xa5: {  	v0 =	vadd.f32 v1, v0  }
0xa6: {  	v1 =	vld [tilespmem:$0x980]  }
0xa7: {  	v0 =	vadd.f32 v2, v0  }
0xa8: {  	v2 =	vld [tilespmem:$0xA00]  }
0xa9: {  	v0 =	vadd.f32 v3, v0  }
0xaa: {  	v3 =	vld [tilespmem:$0xA80]  }
0xab: {  	v0 =	vadd.f32 v1, v0  }
0xac: {  	v1 =	vld [tilespmem:$0xB00]  }
0xad: {  	v0 =	vadd.f32 v2, v0  }
0xae: {  	v2 =	vld [tilespmem:$0xB80]  }
0xaf: {  	v0 =	vadd.f32 v3, v0  }
0xb0: {  	v3 =	vld [tilespmem:$0xC00]  }
0xb1: {  	v0 =	vadd.f32 v1, v0  }
0xb2: {  	v1 =	vld [tilespmem:$0xC80]  }
0xb3: {  	v0 =	vadd.f32 v2, v0  }
0xb4: {  	v2 =	vld [tilespmem:$0xD00]  }
0xb5: {  	v0 =	vadd.f32 v3, v0  }
0xb6: {  	v3 =	vld [tilespmem:$0xD80]  }
0xb7: {  	v0 =	vadd.f32 v1, v0  }
0xb8: {  	v1 =	vld [tilespmem:$0xE00]  }
0xb9: {  	v0 =	vadd.f32 v2, v0  }
0xba: {  	v2 =	vld [tilespmem:$0xE80]  }
0xbb: {  	v0 =	vadd.f32 v3, v0  }
0xbc: {  	v3 =	vld [tilespmem:$0xF00]  }
0xbd: {  	v0 =	vadd.f32 v1, v0  }
0xbe: {  	v1 =	vld [tilespmem:$0xF80]  }
0xbf: {  	v0 =	vadd.f32 v2, v0;
	_ =	sdelay $0x1  }
0xc0: {  	v0 =	vadd.f32 v3, v0;
	_ =	sdelay $0x1  }
0xc1: {  	v0 =	vadd.f32 v1, v0;
	_ =	sdelay $0x1  }
0xc2: {  	(xrf2) =	vadd.scan.msk.f32 $0xffff, v0;
	_ =	sdelay $0x9  }
0xc3: {  	v0, _, _ =	vpop (xrf2)  }
0xc4: {  	v0 =	vsub.f32 $0.0e+00, v0;
	_ =	sdelay $0x1  }
0xc5: {  	v0 =	vmul.f32 $1.442695020e+00, v0;
	_ =	sdelay $0x1  }
0xc6: {  	v0 =	vbroadcast v0, $0xF;
	_ =	sdelay $0x1  }
0xc7: {  	(erf) = vpow2.f32 v0;
	_ =	sdelay $0x8  }
0xc8: {  	v0 =	vpop (erf)  }
0xc9: {  	v0 =	vadd.f32 $1.000000000e+00, v0;
	_ =	sdelay $0x1  }
0xca: {  	(erf) = vrcp.f32 v0;
	_ =	sdelay $0x7  }
.Ltmp1:
0xcb: {  	(pc) =	sbr.rel @p0 .LBB2_1-.Ltmp1, $4  }
0xcc: {  	v0 =	vpop (erf)  }
0xcd: {  	[tilespmem:$0x11F0] =	vst v0  }
0xce: {  	[tilespmem:$0x11E0] =	vst v0  }
0xcf: {  	[tilespmem:$0x11D0] =	vst v0  }
.LBB2_2:
0xd0: {  	[tilespmem:$0x11C0] =	vst v0  }
0xd1: {  	[tilespmem:$0x11B0] =	vst v0  }
0xd2: {  	[tilespmem:$0x11A0] =	vst v0  }
0xd3: {  	[tilespmem:$0x1190] =	vst v0  }
0xd4: {  	[tilespmem:$0x1180] =	vst v0  }
0xd5: {  	[tilespmem:$0x1170] =	vst v0  }
0xd6: {  	[tilespmem:$0x1160] =	vst v0  }
0xd7: {  	[tilespmem:$0x1150] =	vst v0  }
0xd8: {  	[tilespmem:$0x1140] =	vst v0  }
0xd9: {  	[tilespmem:$0x1130] =	vst v0  }
0xda: {  	[tilespmem:$0x1120] =	vst v0  }
0xdb: {  	[tilespmem:$0x1110] =	vst v0  }
0xdc: {  	[tilespmem:$0x1100] =	vst v0  }
0xdd: {  	[tilespmem:$0x10F0] =	vst v0  }
0xde: {  	[tilespmem:$0x10E0] =	vst v0  }
0xdf: {  	[tilespmem:$0x10D0] =	vst v0  }
0xe0: {  	[tilespmem:$0x10C0] =	vst v0  }
0xe1: {  	[tilespmem:$0x10B0] =	vst v0  }
0xe2: {  	[tilespmem:$0x10A0] =	vst v0  }
0xe3: {  	[tilespmem:$0x1090] =	vst v0  }
0xe4: {  	[tilespmem:$0x1080] =	vst v0  }
0xe5: {  	[tilespmem:$0x1070] =	vst v0  }
0xe6: {  	[tilespmem:$0x1060] =	vst v0  }
0xe7: {  	[tilespmem:$0x1050] =	vst v0  }
0xe8: {  	[tilespmem:$0x1040] =	vst v0  }
0xe9: {  	[tilespmem:$0x1030] =	vst v0  }
0xea: {  	[tilespmem:$0x1020] =	vst v0  }
0xeb: {  	[tilespmem:$0x1000] =	vst v0  }
0xec: {  	[tilespmem:$0x1010] =	vst v0  }
0xed: {  	[hbm4b:s5+s1] =	stream.linear.scatter [tilespmem:s6], [sflag:$0x1], $0x200, $0x38;
	[tilespmem:$0x1200] =	vst v63  }
0xee: {  	_ =	swait.ge [sflag:s2], $0x200  }
0xef: {  	[sflag:s2] =	ssyncset.done $0x0  }
0xf0: {  	[sflag:s2] =	ssyncadd.s32 $0xFFFFFE00  }
0xf1: {  	_ =	sfence.sel $0x180000  }
0xf2: {  	[bflag:$0x0] =	sbarrier.arrive $0xFFFF  }
0xf3: {  	p0 =	sne.s32 s4, $0x0;
	_ =	strace $0x9000004D  }
0xf4: {  	s0 =	sadd.s32 @!p0 $0x100000, s0;
	[bflag:$0x2] =	sbarrier.arrive $0xFFFF  }
0xf5: {  	[sflag:s0] =	ssyncadd.tile.s32 @!p0 $0x1;
	_ =	shalt  }
.Lfunc_end2:
_tile_overlayer_lowered:
.L_overlay_start_2:
0xf6: {  	(tag) =	ssettag $0x2  }
0xf7: {  	s0 =	rddreg [dreg:$0x0];
	s2 =	stileid.u32  }
0xf8: {  	s1 =	rddreg [dreg:$0x1];
	p0 =	sne.s32 s2, $0x0  }
0xf9: {  	s3 =	rddreg [dreg:$0x2];
	[bflag:$0x3] =	sbarrier.arrive $0xFFFF;
	s2 =	simm.s32 @!p0 $0x1C01  }
0xfa: {  	[timem:s3], [sflag:s2] =	dma.local @!p0 [hbm:s0], s1  }
0xfb: {  	s0 =	simm.s32 @!p0 $0x1  }
0xfc: {  	_ =	swait.ge @!p0 [sflag:s0], s1  }
0xfd: {  	s1 =	ssub.s32 @!p0 $0x0, s1;
	[sflag:s0] =	ssyncset.done @!p0 $0x0  }
0xfe: {  	[sflag:s0] =	ssyncadd.s32 @!p0 s1  }
0xff: {  	[bflag:$0x3] =	sbarrier.arrive $0xFFFF  }
0x100: {  	_ =	shalt  }

// kernel: kernel.5.cloned.1.call-start
scs
__scs_entry_jumppad:
0x0: {  	(pc) =	sbr.rel $0x88, $3  }
0x1: {  	(tag) =	ssettag $0x0;
	lr =	simm.s32 $0x1  }
0x2: {  	[smem:$0x3F9E] =	sst lr;
	_ =	strace $0xD0000000  }
0x3: {  	_ = 	snop  }
0x4: {  	_ = 	snop  }
0x5: {  	_ = 	snop  }
0x6: {  	_ = 	snop  }
0x7: {  	_ = 	snop  }
__scs_overlays_trampoline_lowered:
0x8: {  	[smem:$0x3FAD] =	sst s0  }
0x9: {  	[smem:$0x3FAE] =	sst s1  }
0xa: {  	[smem:$0x3FAF] =	sst s2  }
0xb: {  	[smem:$0x3FB0] =	sst s3  }
0xc: {  	[smem:$0x3FB1] =	sst s4  }
0xd: {  	[smem:$0x3FB2] =	sst s5  }
0xe: {  	[smem:$0x3FB3] =	sst s6  }
0xf: {  	[smem:$0x3FB4] =	sst s7  }
0x10: {  	[smem:$0x3FB5] =	sst s8  }
0x11: {  	[smem:$0x3FB6] =	sst s9;
	s0 =	simm.s32 @!p0 $0x0  }
0x12: {  	s1 =	sld [smem:$0x3F9C];
	s0 =	simm.s32 @p0 $0x1  }
0x13: {  	[smem:$0x3FB7] =	sst s0;
	s0 =	simm.s32 @!p1 $0x0  }
0x14: {  	s2 =	sld [smem:$0x3F9B];
	s0 =	simm.s32 @p1 $0x1  }
0x15: {  	[smem:$0x3FB8] =	sst s0;
	s0 =	simm.s32 @!p2 $0x0  }
0x16: {  	s3 =	sld [smem:$0x3FDB];
	s0 =	simm.s32 @p2 $0x1  }
0x17: {  	s4 =	simm.s32 $0x1BF5;
	[smem:$0x3FBA] =	sst s0  }
0x18: {  	s0 =	sld [smem:$0x3F9D];
	_ =	swait.ge [sflag:s4], $0x0  }
0x19: {  	s7 =	sld [smem:$0x3F9E]  }
0x1a: {  	s8 =	sadd.s32 $0xFFFFE003, lr  }
0x1b: {  	s9 =	sadd.s32 $0xFFFFFEF7, lr;
	s5 =	simm.s32 $0xFFFFFFFF;
	p2 =	slt.u32 s8, $0xFFFFF086  }
0x1c: {  	p1 =	slt.u32 s9, $0xF7A;
	s5 =	simm.s32 @!p2 $0x0  }
0x1d: {  	s5 =	simm.s32 @p1 $0x1;
	p0 =	seq.s32 s7, s2  }
0x1e: {  	s7 =	smul.u32 @!p0 $0xF7A, s2;
	p2 =	seq.s32 @!p0 s5, $0x0  }
0x1f: {  	s9 =	smul.u32 $0xF7A, s1;
	s8 =	simm.s32 @!p0 $0x1BF5;
	p2 =	por !p2, p0  }
0x20: {  	[sflag:s8] =	ssyncset.s32 @!p0 $0xFFFFF086;
	s6 =	sadd.s32 @!p0 s3, s7;
	s7 =	simm.s32 @!p0 $0x108  }
0x21: {  	s3 =	sadd.s32 s3, s9;
	s6 =	sadd.s32 @!p0 $0x88, s6;
	s7 =	simm.s32 @p2 $0x1082  }
0x22: {  	[simem:s7], [sflag:s8] =	dma.local @!p0 [hbm:s6], $0xF7A  }
0x23: {  	s9 =	sor.u32 $0xD0000000, s2;
	s6 =	simm.s32 $0x108;
	_ =	swait.ge @!p0 [sflag:s8], $0x0  }
0x24: {  	s3 =	sadd.s32 $0x88, s3;
	s6 =	simm.s32 @!p1 $0x1082;
	[sflag:s4] =	ssyncset.s32 $0xFFFFF086  }
0x25: {  	[simem:s6], [sflag:s4] =	dma.local [hbm:s3], $0xF7A  }
0x26: {  	[smem:$0x3F9E] =	sst s1;
	(tag) =	ssettag s2;
	_ =	strace s9  }
0x27: {  	s1 =	sld [smem:$0x3FAE]  }
0x28: {  	s2 =	sld [smem:$0x3FAF]  }
0x29: {  	s4 =	sld [smem:$0x3FB1]  }
0x2a: {  	p0 =	seq.s32 s5, $0x0;
	s5 =	sld [smem:$0x3FB2]  }
0x2b: {  	s6 =	sld [smem:$0x3FB3]  }
0x2c: {  	s7 =	sld [smem:$0x3FB4]  }
0x2d: {  	s3 =	simm.s32 $0x108;
	s8 =	sld [smem:$0x3FB5]  }
0x2e: {  	s3 =	simm.s32 @!p0 $0x1082;
	s9 =	sld [smem:$0x3FB6]  }
0x2f: {  	lr =	sadd.s32 s0, s3;
	s0 =	sld [smem:$0x3FAD]  }
0x30: {  	s3 =	sld [smem:$0x3FB0]  }
0x31: {  	[smem:$0x3FB9] =	sst s10  }
0x32: {  	s10 =	sld [smem:$0x3FB7];
	_ =	sdelay $0x3  }
0x33: {  	p0 =	seq.s32 s10, $0x1;
	s10 =	sld [smem:$0x3FB9];
	_ =	sdelay $0x3  }
0x34: {  	[smem:$0x3FB9] =	sst s10  }
0x35: {  	s10 =	sld [smem:$0x3FB8];
	_ =	sdelay $0x3  }
0x36: {  	p1 =	seq.s32 s10, $0x1;
	s10 =	sld [smem:$0x3FB9];
	_ =	sdelay $0x3  }
0x37: {  	[smem:$0x3FB9] =	sst s10  }
0x38: {  	s10 =	sld [smem:$0x3FBA]  }
0x39: {  	_ = 	snop;
	(pc) =	sbr.ind lr, $3  }
0x3a: {  	_ = 	snop  }
0x3b: {  	_ = 	snop  }
0x3c: {  	p2 =	seq.s32 s10, $0x1;
	s10 =	sld [smem:$0x3FB9]  }
0x3d: {  	_ =	shalt  }
0x3e: {  	_ =	shalt  }
0x3f: {  	_ =	shalt  }
0x40: {  	_ =	shalt  }
0x41: {  	_ =	shalt  }
0x42: {  	_ =	shalt  }
0x43: {  	_ =	shalt  }
0x44: {  	_ =	shalt  }
0x45: {  	_ =	shalt  }
0x46: {  	_ =	shalt  }
0x47: {  	_ =	shalt  }
0x48: {  	_ =	shalt  }
0x49: {  	_ =	shalt  }
0x4a: {  	_ =	shalt  }
0x4b: {  	_ =	shalt  }
0x4c: {  	_ =	shalt  }
0x4d: {  	_ =	shalt  }
0x4e: {  	_ =	shalt  }
0x4f: {  	_ =	shalt  }
0x50: {  	_ =	shalt  }
0x51: {  	_ =	shalt  }
0x52: {  	_ =	shalt  }
0x53: {  	_ =	shalt  }
0x54: {  	_ =	shalt  }
0x55: {  	_ =	shalt  }
0x56: {  	_ =	shalt  }
0x57: {  	_ =	shalt  }
0x58: {  	_ =	shalt  }
0x59: {  	_ =	shalt  }
0x5a: {  	_ =	shalt  }
0x5b: {  	_ =	shalt  }
0x5c: {  	_ =	shalt  }
0x5d: {  	_ =	shalt  }
0x5e: {  	_ =	shalt  }
0x5f: {  	_ =	shalt  }
0x60: {  	_ =	shalt  }
0x61: {  	_ =	shalt  }
0x62: {  	_ =	shalt  }
0x63: {  	_ =	shalt  }
0x64: {  	_ =	shalt  }
0x65: {  	_ =	shalt  }
0x66: {  	_ =	shalt  }
0x67: {  	_ =	shalt  }
0x68: {  	_ =	shalt  }
0x69: {  	_ =	shalt  }
0x6a: {  	_ =	shalt  }
0x6b: {  	_ =	shalt  }
0x6c: {  	_ =	shalt  }
0x6d: {  	_ =	shalt  }
0x6e: {  	_ =	shalt  }
0x6f: {  	_ =	shalt  }
0x70: {  	_ =	shalt  }
0x71: {  	_ =	shalt  }
0x72: {  	_ =	shalt  }
0x73: {  	_ =	shalt  }
0x74: {  	_ =	shalt  }
0x75: {  	_ =	shalt  }
0x76: {  	_ =	shalt  }
0x77: {  	_ =	shalt  }
0x78: {  	_ =	shalt  }
0x79: {  	_ =	shalt  }
0x7a: {  	_ =	shalt  }
0x7b: {  	_ =	shalt  }
0x7c: {  	_ =	shalt  }
0x7d: {  	_ =	shalt  }
0x7e: {  	_ =	shalt  }
0x7f: {  	_ =	shalt  }
0x80: {  	_ =	shalt  }
0x81: {  	_ =	shalt  }
0x82: {  	_ =	shalt  }
0x83: {  	_ =	shalt  }
0x84: {  	_ =	shalt  }
0x85: {  	_ =	shalt  }
0x86: {  	_ =	shalt  }
0x87: {  	_ =	shalt  }
.Lfunc_end0:
.L_simem_size_0:
called_computation_lowered:
.L_overlay_start_0:
0x88: {  	s2 =	sld [smem:$0x3FD9]  }
0x89: {  	s3 =	sld [smem:$0x3FFE];
	_ =	sdelay $0x1  }
0x8a: {  	s1 =	srdreg.scid  }
0x8b: {  	s0 =	sand.u32 $0x1, s1  }
0x8c: {  	s17 =	sshll.u32 s0, $0xA;
	s2 =	sadd.s32 s3, s2  }
0x8d: {  	s2 =	sadd.s32 s2, s17  }
0x8e: {  	[smem:$0x3FC5] =	sst s2  }
0x8f: {  	_ = 	snop  }
0x90: {  	s2 =	sld [smem:$0x3FD0];
	(tm) =	ssettm $0x1  }
0x91: {  	s18 =	sld [smem:$0x3FFB];
	_ =	sdelay $0x3  }
0x92: {  	_ =	strace s18  }
0x93: {  	s3 =	sld [smem:$0x3FFC];
	_ =	sdelay $0x3  }
0x94: {  	_ =	strace s3  }
0x95: {  	s3 =	sld [smem:$0x3FFD];
	_ =	sdelay $0x3  }
0x96: {  	_ =	strace s3  }
0x97: {  	_ =	strace $0x8FFFFFFF  }
0x98: {  	s19 =	sld [smem:$0x3FDB];
	_ =	sdelay $0x1  }
0x99: {  	s4 =	simm.s32 $_scs_section_size  }
0x9a: {  	s5 =	simm.s32 $_size__tile_overlayer_lowered;
	s6 =	simm.s32 $_tile_overlayer_lowered  }
0x9b: {  	s22 =	simm.s32 $0x1BFF;
	s21 =	sshll.u32 s6, $0x1;
	s3 =	sadd.s32 s4, s19  }
0x9c: {  	s7 =	simm.s32 $0x0;
	s20 =	sshll.u32 s5, $0x1;
	s5 =	sadd.s32 s21, s3  }
0x9d: {  	[timem:s7], [sflag:s22] =	dma.local [hbm:s5], s20  }
0x9e: {  	_ =	swait.ge [sflag:s22], s20  }
0x9f: {  	s4 =	ssub.s32 $0x0, s20;
	[sflag:s22] =	ssyncset.done $0x0  }
0xa0: {  	[sflag:s22] =	ssyncadd.s32 s4;
	_ =	sdelay $0x1  }
0xa1: {  	s23 =	simm.s32 $0x1B8B  }
0xa2: {  	_ =	swait.ge [sflag:s23], $0x1  }
0xa3: {  	[sflag:s23] =	ssyncset.done $0x0  }
0xa4: {  	s25 =	simm.s32 $0x1B8E;
	s24 =	sld [smem:$0x3FFE];
	[sflag:s23] =	ssyncadd.s32 $0xFFFFFFFF  }
0xa5: {  	s26 =	simm.s32 $execute0_lowered;
	[smem:$0x3FD2] =	sst s25  }
0xa6: {  	s5 =	sshll.u32 s26, $0x1;
	_ =	strace $0x80000046;
	[dreg:$0x1] =	wrdreg $0xFFFFFFFF  }
0xa7: {  	s28 =	simm.s32 $_size_execute0_lowered;
	s3 =	sadd.s32 s3, s5;
	[dreg:$0x0] =	wrdreg $0x0  }
0xa8: {  	s5 =	sshll.u32 s28, $0x1;
	[dreg:$0x2] =	wrdreg s3  }
0xa9: {  	[dreg:$0x3] =	wrdreg s5  }
0xaa: {  	[dreg:$0x4] =	wrdreg $0xC0  }
0xab: {  	_ =	task [dreg:s7], $0x5FFFF  }
0xac: {  	[dreg:$0x1] =	wrdreg $0xFFFFFFFF  }
0xad: {  	[dreg:$0x0] =	wrdreg $0x60  }
0xae: {  	[dreg:$0x2] =	wrdreg s24  }
0xaf: {  	[dreg:$0x3] =	wrdreg s2  }
0xb0: {  	[dreg:$0x4] =	wrdreg $0x9  }
0xb1: {  	_ =	task.clear_ibuf [dreg:s7], $0x5FFFF;
	_ =	strace $0x90000046  }
0xb2: {  	s29 =	simm.s32 $0x9;
	_ =	strace $0x80000048  }
0xb3: {  	_ =	swait.ge [sflag:s29], $0x1  }
0xb4: {  	[sflag:s29] =	ssyncadd.s32 $0xFFFFFFFF  }
0xb5: {  	_ =	strace $0x90000048  }
0xb6: {  	_ =	sfence  }
0xb7: {  	s30 =	sld [smem:$0x0];
	_ =	sdelay $0x2  }
0xb8: {  	s31 =	sshll.u32 s1, $0xD;
	s1 =	sshrl.u32 s1, $0x2  }
0xb9: {  	s3 =	sand.u32 $0x4000, s31;
	s1 =	sadd.s32 s1, s30  }
0xba: {  	s0 =	sor.u32 s3, s0;
	s1 =	sshll.u32 s1, $0x11  }
0xbb: {  	s0 =	sor.u32 s1, s0  }
0xbc: {  	s0 =	sadd.s32 $0x8F2B, s0  }
0xbd: {  	[sflag:s0] =	ssyncadd.remote.s32 $0x1  }
0xbe: {  	_ =	sfence.sel $0xFFFF  }
0xbf: {  	[dreg:$0x0] =	wrdreg $0xFFFFFFFF;
	(pc) =	sbr.abs _section_cstart, $3  }
0xc0: {  	[dreg:$0x1] =	wrdreg $0xFFFFFFFF  }
0xc1: {  	_ =	task.clear_ibuf [dreg:s7], $0x2FFFF;
	_ =	strace $0x9FFFFFFF  }
0xc2: {  	(tm) =	ssettm $0x7FFFFFFF  }
0xc3: {  	_ =	shalt  }
tec
execute0_lowered:
.L_overlay_start_1:
0x0: {  	(tag) =	ssettag $0x1  }
0x1: {  	v0 =	vlaneseq.u32  }
0x2: {  	v0 =	vmul.u32 $0x80, v0;
	_ =	sdelay $0x1  }
0x3: {  	v1 =	vor.u32 $0x1, v0;
	v2 =	vor.u32 $0x800, v0;
	v3 =	vor.u32 $0x801, v0  }
0x4: {  	v4 =	vor.u32 $0x1000, v0;
	v5 =	vor.u32 $0x1001, v0;
	v6 =	vor.u32 $0x1800, v0  }
0x5: {  	v7 =	vor.u32 $0x1801, v0;
	v8 =	vor.u32 $0x2000, v0;
	v9 =	vor.u32 $0x2001, v0  }
0x6: {  	v10 =	vor.u32 $0x2800, v0;
	v11 =	vor.u32 $0x2801, v0;
	v12 =	vor.u32 $0x3000, v0  }
0x7: {  	v13 =	vor.u32 $0x3001, v0;
	v14 =	vor.u32 $0x3800, v0;
	v15 =	vor.u32 $0x3801, v0  }
0x8: {  	v16 =	vor.u32 $0x4000, v0;
	v17 =	vor.u32 $0x4001, v0;
	v18 =	vor.u32 $0x4800, v0  }
0x9: {  	v19 =	vor.u32 $0x4801, v0;
	v20 =	vor.u32 $0x5000, v0;
	v21 =	vor.u32 $0x5001, v0  }
0xa: {  	v22 =	vor.u32 $0x5800, v0;
	v23 =	vor.u32 $0x5801, v0;
	v24 =	vor.u32 $0x6000, v0  }
0xb: {  	v25 =	vor.u32 $0x6001, v0;
	v26 =	vor.u32 $0x6800, v0;
	v27 =	vor.u32 $0x6801, v0  }
0xc: {  	v28 =	vor.u32 $0x7000, v0;
	v29 =	vor.u32 $0x7001, v0;
	v30 =	vor.u32 $0x7800, v0  }
0xd: {  	v31 =	vor.u32 $0x7801, v0;
	v32 =	vor.u32 $0x8000, v0;
	v33 =	vor.u32 $0x8001, v0  }
0xe: {  	v34 =	vor.u32 $0x8800, v0;
	v35 =	vor.u32 $0x8801, v0;
	v36 =	vor.u32 $0x9000, v0  }
0xf: {  	s3 =	rddreg [dreg:$0x0];
	s2 =	srdreg.scid;
	v37 =	vor.u32 $0x9001, v0;
	v38 =	vor.u32 $0x9800, v0;
	v39 =	vor.u32 $0x9801, v0  }
0x10: {  	s4 =	rddreg [dreg:$0x1];
	s1 =	stileid.u32;
	s5 =	sand.u32 $0x1, s2;
	v40 =	vor.u32 $0xA000, v0;
	v41 =	vor.u32 $0xA001, v0;
	v42 =	vor.u32 $0xA800, v0  }
0x11: {  	s0 =	rddreg [dreg:$0x2];
	s6 =	sshll.u32 s1, $0xA;
	s7 =	sshll.u32 s5, $0x9;
	v43 =	vor.u32 $0xA801, v0;
	v44 =	vor.u32 $0xB000, v0;
	v45 =	vor.u32 $0xB001, v0  }
0x12: {  	s2 =	simm.s32 $0x0;
	s5 =	ssub.s32 $0x2, s5;
	s6 =	sor.u32 s7, s6;
	v46 =	vor.u32 $0xB800, v0;
	v47 =	vor.u32 $0xB801, v0;
	v48 =	vor.u32 $0xC000, v0  }
0x13: {  	[smem:$0x7FF] =	sst s2;
	v49 =	vor.u32 $0xC001, v0;
	v50 =	vor.u32 $0xC800, v0;
	v51 =	vor.u32 $0xC801, v0;
	s8 =	sshrl.u32 s5, $0x1;
	[tilespmem:$0x1FFF0] =	vst v1;
	s7 =	sshll.u32 s6, $0x4  }
0x14: {  	v52 =	vor.u32 $0xD000, v0;
	v53 =	vor.u32 $0xD001, v0;
	v54 =	vor.u32 $0xD800, v0;
	s6 =	sshrl.u32 s6, $0x3;
	s8 =	ssub.s32 s5, s8;
	_ =	strace $0x80000047  }
0x15: {  	v55 =	vor.u32 $0xD801, v0;
	v56 =	vor.u32 $0xE000, v0;
	v57 =	vor.u32 $0xE001, v0;
	s7 =	sadd.s32 s7, s3;
	s9 =	sadd.s32 s6, s3;
	s4 =	sadd.s32 s4, s6  }
0x16: {  	v58 =	vor.u32 $0xE800, v0;
	v59 =	vor.u32 $0xE801, v0;
	v60 =	vor.u32 $0xF000, v0;
	s6 =	smax.u32 s8, $0x1;
	s8 =	simm.s32 $0x10000;
	s3 =	sadd.s32 $0x1400, s7  }
0x17: {  	v61 =	vor.u32 $0xF001, v0;
	v62 =	vor.u32 $0xF800, v0;
	v63 =	vor.u32 $0xF801, v0;
	s5 =	sadd.s32 $0x41400, s9;
	s7 =	simm.s32 $0x1;
	s9 =	simm.s32 $0x10200  }
.LBB2_1:
0x18: {  	[tilespmem:s2], [sflag:$0x1] =	stream.linear.gather [hbm4b:s3+s2], $0x10000, $0x38;
	[tilespmem:$0x10400] =	vst v63  }
0x19: {  	_ =	swait.ge [sflag:s7], $0x10000  }
0x1a: {  	[sflag:s7] =	ssyncset.done $0x0  }
0x1b: {  	[sflag:s7] =	ssyncadd.s32 $0xFFFF0000  }
0x1c: {  	v1 =	vld.idx.msk [tilespmem:v0+s2+$0x0], $0xffff;
	_ =	sdelay $0x4  }
0x1d: {  	[tilespmem:$0x10000] =	vst v1;
	v1 =	vld [tilespmem:$0x1FFF0];
	_ =	sdelay $0x7  }
0x1e: {  	v1 =	vld.idx.msk [tilespmem:v1+s2+$0x0], $0xffff;
	_ =	sdelay $0x4  }
0x1f: {  	[tilespmem:$0x10200] =	vst v1  }
0x20: {  	v1 =	vld.idx.msk [tilespmem:v2+s2+$0x0], $0xffff;
	_ =	sdelay $0x4  }
0x21: {  	[tilespmem:$0x10010] =	vst v1  }
0x22: {  	v1 =	vld.idx.msk [tilespmem:v3+s2+$0x0], $0xffff;
	_ =	sdelay $0x4  }
0x23: {  	[tilespmem:$0x10210] =	vst v1  }
0x24: {  	v1 =	vld.idx.msk [tilespmem:v4+s2+$0x0], $0xffff;
	_ =	sdelay $0x4  }
0x25: {  	[tilespmem:$0x10020] =	vst v1  }
0x26: {  	v1 =	vld.idx.msk [tilespmem:v5+s2+$0x0], $0xffff;
	_ =	sdelay $0x4  }
0x27: {  	[tilespmem:$0x10220] =	vst v1  }
0x28: {  	v1 =	vld.idx.msk [tilespmem:v6+s2+$0x0], $0xffff;
	_ =	sdelay $0x4  }
0x29: {  	[tilespmem:$0x10030] =	vst v1  }
0x2a: {  	v1 =	vld.idx.msk [tilespmem:v7+s2+$0x0], $0xffff;
	_ =	sdelay $0x4  }
0x2b: {  	[tilespmem:$0x10230] =	vst v1  }
0x2c: {  	v1 =	vld.idx.msk [tilespmem:v8+s2+$0x0], $0xffff;
	_ =	sdelay $0x4  }
0x2d: {  	[tilespmem:$0x10040] =	vst v1  }
0x2e: {  	v1 =	vld.idx.msk [tilespmem:v9+s2+$0x0], $0xffff;
	_ =	sdelay $0x4  }
0x2f: {  	[tilespmem:$0x10240] =	vst v1  }
0x30: {  	v1 =	vld.idx.msk [tilespmem:v10+s2+$0x0], $0xffff;
	_ =	sdelay $0x4  }
0x31: {  	[tilespmem:$0x10050] =	vst v1  }
0x32: {  	v1 =	vld.idx.msk [tilespmem:v11+s2+$0x0], $0xffff;
	_ =	sdelay $0x4  }
0x33: {  	[tilespmem:$0x10250] =	vst v1  }
0x34: {  	v1 =	vld.idx.msk [tilespmem:v12+s2+$0x0], $0xffff;
	_ =	sdelay $0x4  }
0x35: {  	[tilespmem:$0x10060] =	vst v1  }
0x36: {  	v1 =	vld.idx.msk [tilespmem:v13+s2+$0x0], $0xffff;
	_ =	sdelay $0x4  }
0x37: {  	[tilespmem:$0x10260] =	vst v1  }
0x38: {  	v1 =	vld.idx.msk [tilespmem:v14+s2+$0x0], $0xffff;
	_ =	sdelay $0x4  }
0x39: {  	[tilespmem:$0x10070] =	vst v1  }
0x3a: {  	v1 =	vld.idx.msk [tilespmem:v15+s2+$0x0], $0xffff;
	_ =	sdelay $0x4  }
0x3b: {  	[tilespmem:$0x10270] =	vst v1  }
0x3c: {  	v1 =	vld.idx.msk [tilespmem:v16+s2+$0x0], $0xffff;
	_ =	sdelay $0x4  }
0x3d: {  	[tilespmem:$0x10080] =	vst v1  }
0x3e: {  	v1 =	vld.idx.msk [tilespmem:v17+s2+$0x0], $0xffff;
	_ =	sdelay $0x4  }
0x3f: {  	[tilespmem:$0x10280] =	vst v1  }
0x40: {  	v1 =	vld.idx.msk [tilespmem:v18+s2+$0x0], $0xffff;
	_ =	sdelay $0x4  }
0x41: {  	[tilespmem:$0x10090] =	vst v1  }
0x42: {  	v1 =	vld.idx.msk [tilespmem:v19+s2+$0x0], $0xffff;
	_ =	sdelay $0x4  }
0x43: {  	[tilespmem:$0x10290] =	vst v1  }
0x44: {  	v1 =	vld.idx.msk [tilespmem:v20+s2+$0x0], $0xffff;
	_ =	sdelay $0x4  }
0x45: {  	[tilespmem:$0x100A0] =	vst v1  }
0x46: {  	v1 =	vld.idx.msk [tilespmem:v21+s2+$0x0], $0xffff;
	_ =	sdelay $0x4  }
0x47: {  	[tilespmem:$0x102A0] =	vst v1  }
0x48: {  	v1 =	vld.idx.msk [tilespmem:v22+s2+$0x0], $0xffff;
	_ =	sdelay $0x4  }
0x49: {  	[tilespmem:$0x100B0] =	vst v1  }
0x4a: {  	v1 =	vld.idx.msk [tilespmem:v23+s2+$0x0], $0xffff;
	_ =	sdelay $0x4  }
0x4b: {  	[tilespmem:$0x102B0] =	vst v1  }
0x4c: {  	v1 =	vld.idx.msk [tilespmem:v24+s2+$0x0], $0xffff;
	_ =	sdelay $0x4  }
0x4d: {  	[tilespmem:$0x100C0] =	vst v1  }
0x4e: {  	v1 =	vld.idx.msk [tilespmem:v25+s2+$0x0], $0xffff;
	_ =	sdelay $0x4  }
0x4f: {  	[tilespmem:$0x102C0] =	vst v1  }
0x50: {  	v1 =	vld.idx.msk [tilespmem:v26+s2+$0x0], $0xffff;
	_ =	sdelay $0x4  }
0x51: {  	[tilespmem:$0x100D0] =	vst v1  }
0x52: {  	v1 =	vld.idx.msk [tilespmem:v27+s2+$0x0], $0xffff;
	_ =	sdelay $0x4  }
0x53: {  	[tilespmem:$0x102D0] =	vst v1  }
0x54: {  	v1 =	vld.idx.msk [tilespmem:v28+s2+$0x0], $0xffff;
	_ =	sdelay $0x4  }
0x55: {  	[tilespmem:$0x100E0] =	vst v1  }
0x56: {  	v1 =	vld.idx.msk [tilespmem:v29+s2+$0x0], $0xffff;
	_ =	sdelay $0x4  }
0x57: {  	[tilespmem:$0x102E0] =	vst v1  }
0x58: {  	v1 =	vld.idx.msk [tilespmem:v30+s2+$0x0], $0xffff;
	_ =	sdelay $0x4  }
0x59: {  	[tilespmem:$0x100F0] =	vst v1  }
0x5a: {  	v1 =	vld.idx.msk [tilespmem:v31+s2+$0x0], $0xffff;
	_ =	sdelay $0x4  }
0x5b: {  	[tilespmem:$0x102F0] =	vst v1  }
0x5c: {  	v1 =	vld.idx.msk [tilespmem:v32+s2+$0x0], $0xffff;
	_ =	sdelay $0x4  }
0x5d: {  	[tilespmem:$0x10100] =	vst v1  }
0x5e: {  	v1 =	vld.idx.msk [tilespmem:v33+s2+$0x0], $0xffff;
	_ =	sdelay $0x4  }
0x5f: {  	[tilespmem:$0x10300] =	vst v1  }
0x60: {  	v1 =	vld.idx.msk [tilespmem:v34+s2+$0x0], $0xffff;
	_ =	sdelay $0x4  }
0x61: {  	[tilespmem:$0x10110] =	vst v1  }
0x62: {  	v1 =	vld.idx.msk [tilespmem:v35+s2+$0x0], $0xffff;
	_ =	sdelay $0x4  }
0x63: {  	[tilespmem:$0x10310] =	vst v1  }
0x64: {  	v1 =	vld.idx.msk [tilespmem:v36+s2+$0x0], $0xffff;
	_ =	sdelay $0x4  }
0x65: {  	[tilespmem:$0x10120] =	vst v1  }
0x66: {  	v1 =	vld.idx.msk [tilespmem:v37+s2+$0x0], $0xffff;
	_ =	sdelay $0x4  }
0x67: {  	[tilespmem:$0x10320] =	vst v1  }
0x68: {  	v1 =	vld.idx.msk [tilespmem:v38+s2+$0x0], $0xffff;
	_ =	sdelay $0x4  }
0x69: {  	[tilespmem:$0x10130] =	vst v1  }
0x6a: {  	v1 =	vld.idx.msk [tilespmem:v39+s2+$0x0], $0xffff;
	_ =	sdelay $0x4  }
0x6b: {  	[tilespmem:$0x10330] =	vst v1  }
0x6c: {  	v1 =	vld.idx.msk [tilespmem:v40+s2+$0x0], $0xffff;
	_ =	sdelay $0x4  }
0x6d: {  	[tilespmem:$0x10140] =	vst v1  }
0x6e: {  	v1 =	vld.idx.msk [tilespmem:v41+s2+$0x0], $0xffff;
	_ =	sdelay $0x4  }
0x6f: {  	[tilespmem:$0x10340] =	vst v1  }
0x70: {  	v1 =	vld.idx.msk [tilespmem:v42+s2+$0x0], $0xffff;
	_ =	sdelay $0x4  }
0x71: {  	[tilespmem:$0x10150] =	vst v1  }
0x72: {  	v1 =	vld.idx.msk [tilespmem:v43+s2+$0x0], $0xffff;
	_ =	sdelay $0x4  }
0x73: {  	[tilespmem:$0x10350] =	vst v1  }
0x74: {  	v1 =	vld.idx.msk [tilespmem:v44+s2+$0x0], $0xffff;
	_ =	sdelay $0x4  }
0x75: {  	[tilespmem:$0x10160] =	vst v1  }
0x76: {  	v1 =	vld.idx.msk [tilespmem:v45+s2+$0x0], $0xffff;
	_ =	sdelay $0x4  }
0x77: {  	[tilespmem:$0x10360] =	vst v1  }
0x78: {  	v1 =	vld.idx.msk [tilespmem:v46+s2+$0x0], $0xffff;
	_ =	sdelay $0x4  }
0x79: {  	[tilespmem:$0x10170] =	vst v1  }
0x7a: {  	v1 =	vld.idx.msk [tilespmem:v47+s2+$0x0], $0xffff;
	_ =	sdelay $0x4  }
0x7b: {  	[tilespmem:$0x10370] =	vst v1  }
0x7c: {  	v1 =	vld.idx.msk [tilespmem:v48+s2+$0x0], $0xffff;
	_ =	sdelay $0x4  }
0x7d: {  	[tilespmem:$0x10180] =	vst v1  }
0x7e: {  	v1 =	vld.idx.msk [tilespmem:v49+s2+$0x0], $0xffff;
	_ =	sdelay $0x4  }
0x7f: {  	[tilespmem:$0x10380] =	vst v1  }
0x80: {  	v1 =	vld.idx.msk [tilespmem:v50+s2+$0x0], $0xffff;
	_ =	sdelay $0x4  }
0x81: {  	[tilespmem:$0x10190] =	vst v1  }
0x82: {  	v1 =	vld.idx.msk [tilespmem:v51+s2+$0x0], $0xffff;
	_ =	sdelay $0x4  }
0x83: {  	[tilespmem:$0x10390] =	vst v1  }
0x84: {  	v1 =	vld.idx.msk [tilespmem:v52+s2+$0x0], $0xffff;
	_ =	sdelay $0x4  }
0x85: {  	[tilespmem:$0x101A0] =	vst v1  }
0x86: {  	v1 =	vld.idx.msk [tilespmem:v53+s2+$0x0], $0xffff;
	_ =	sdelay $0x4  }
0x87: {  	[tilespmem:$0x103A0] =	vst v1  }
0x88: {  	v1 =	vld.idx.msk [tilespmem:v54+s2+$0x0], $0xffff;
	_ =	sdelay $0x4  }
0x89: {  	[tilespmem:$0x101B0] =	vst v1  }
0x8a: {  	v1 =	vld.idx.msk [tilespmem:v55+s2+$0x0], $0xffff;
	_ =	sdelay $0x4  }
0x8b: {  	[tilespmem:$0x103B0] =	vst v1  }
0x8c: {  	v1 =	vld.idx.msk [tilespmem:v56+s2+$0x0], $0xffff;
	_ =	sdelay $0x4  }
0x8d: {  	[tilespmem:$0x101C0] =	vst v1  }
0x8e: {  	v1 =	vld.idx.msk [tilespmem:v57+s2+$0x0], $0xffff;
	_ =	sdelay $0x4  }
0x8f: {  	[tilespmem:$0x103C0] =	vst v1  }
0x90: {  	v1 =	vld.idx.msk [tilespmem:v58+s2+$0x0], $0xffff;
	_ =	sdelay $0x4  }
0x91: {  	[tilespmem:$0x101D0] =	vst v1  }
0x92: {  	v1 =	vld.idx.msk [tilespmem:v59+s2+$0x0], $0xffff;
	_ =	sdelay $0x4  }
0x93: {  	[tilespmem:$0x103D0] =	vst v1  }
0x94: {  	v1 =	vld.idx.msk [tilespmem:v60+s2+$0x0], $0xffff;
	_ =	sdelay $0x4  }
0x95: {  	[tilespmem:$0x101E0] =	vst v1  }
0x96: {  	v1 =	vld.idx.msk [tilespmem:v61+s2+$0x0], $0xffff;
	_ =	sdelay $0x4  }
0x97: {  	[tilespmem:$0x103E0] =	vst v1  }
0x98: {  	v1 =	vld.idx.msk [tilespmem:v62+s2+$0x0], $0xffff;
	_ =	sdelay $0x4  }
0x99: {  	[tilespmem:$0x101F0] =	vst v1  }
0x9a: {  	v1 =	vld.idx.msk [tilespmem:v63+s2+$0x0], $0xffff;
	_ =	sdelay $0x4  }
0x9b: {  	[tilespmem:$0x103F0] =	vst v1  }
0x9c: {  	[hbm4b:s4+s2] =	stream.linear.scatter [tilespmem:s8], [sflag:$0x1], $0x200, $0x38;
	[tilespmem:$0x10400] =	vst v63  }
0x9d: {  	_ =	swait.ge [sflag:s7], $0x200  }
0x9e: {  	p0 =	sne.s32 s6, $0x1;
	[sflag:s7] =	ssyncset.done $0x0  }
.Ltmp0:
0x9f: {  	[sflag:s7] =	ssyncadd.s32 $0xFFFFFE00;
	(pc) =	sbr.rel @p0 .LBB2_1-.Ltmp0, $4  }
0xa0: {  	[hbm4b:s5+s2] =	stream.linear.scatter [tilespmem:s9], [sflag:$0x1], $0x200, $0x38;
	[tilespmem:$0x10400] =	vst v63  }
0xa1: {  	_ =	swait.ge [sflag:s7], $0x200  }
0xa2: {  	[sflag:s7] =	ssyncset.done $0x0  }
0xa3: {  	s6 =	sadd.s32 $0xFFFFFFFF, s6;
	[sflag:s7] =	ssyncadd.s32 $0xFFFFFE00  }
0xa4: {  	_ =	sfence.sel $0x180000  }
0xa5: {  	[bflag:$0x0] =	sbarrier.arrive $0xFFFF  }
0xa6: {  	p0 =	sne.s32 s1, $0x0;
	_ =	strace $0x90000047  }
0xa7: {  	s0 =	sadd.s32 @!p0 $0x100000, s0;
	[bflag:$0x2] =	sbarrier.arrive $0xFFFF  }
0xa8: {  	[sflag:s0] =	ssyncadd.tile.s32 @!p0 $0x1;
	_ =	shalt  }
.Lfunc_end2:
_tile_overlayer_lowered:
.L_overlay_start_2:
0xa9: {  	(tag) =	ssettag $0x2  }
0xaa: {  	s0 =	rddreg [dreg:$0x0];
	s2 =	stileid.u32  }
0xab: {  	s1 =	rddreg [dreg:$0x1];
	p0 =	sne.s32 s2, $0x0  }
0xac: {  	s3 =	rddreg [dreg:$0x2];
	[bflag:$0x3] =	sbarrier.arrive $0xFFFF;
	s2 =	simm.s32 @!p0 $0x1C01  }
0xad: {  	[timem:s3], [sflag:s2] =	dma.local @!p0 [hbm:s0], s1  }
0xae: {  	s0 =	simm.s32 @!p0 $0x1  }
0xaf: {  	_ =	swait.ge @!p0 [sflag:s0], s1  }
0xb0: {  	s1 =	ssub.s32 @!p0 $0x0, s1;
	[sflag:s0] =	ssyncset.done @!p0 $0x0  }
0xb1: {  	[sflag:s0] =	ssyncadd.s32 @!p0 s1  }
0xb2: {  	[bflag:$0x3] =	sbarrier.arrive $0xFFFF  }
0xb3: {  	_ =	shalt  }

// kernel: kernel.8.cloned.1.call-start
scs
__scs_entry_jumppad:
0x0: {  	(pc) =	sbr.rel $0x88, $3  }
0x1: {  	(tag) =	ssettag $0x0;
	lr =	simm.s32 $0x1  }
0x2: {  	[smem:$0x3F9E] =	sst lr;
	_ =	strace $0xD0000000  }
0x3: {  	_ = 	snop  }
0x4: {  	_ = 	snop  }
0x5: {  	_ = 	snop  }
0x6: {  	_ = 	snop  }
0x7: {  	_ = 	snop  }
__scs_overlays_trampoline_lowered:
0x8: {  	[smem:$0x3FAD] =	sst s0  }
0x9: {  	[smem:$0x3FAE] =	sst s1  }
0xa: {  	[smem:$0x3FAF] =	sst s2  }
0xb: {  	[smem:$0x3FB0] =	sst s3  }
0xc: {  	[smem:$0x3FB1] =	sst s4  }
0xd: {  	[smem:$0x3FB2] =	sst s5  }
0xe: {  	[smem:$0x3FB3] =	sst s6  }
0xf: {  	[smem:$0x3FB4] =	sst s7  }
0x10: {  	[smem:$0x3FB5] =	sst s8  }
0x11: {  	[smem:$0x3FB6] =	sst s9;
	s0 =	simm.s32 @!p0 $0x0  }
0x12: {  	s1 =	sld [smem:$0x3F9C];
	s0 =	simm.s32 @p0 $0x1  }
0x13: {  	[smem:$0x3FB7] =	sst s0;
	s0 =	simm.s32 @!p1 $0x0  }
0x14: {  	s2 =	sld [smem:$0x3F9B];
	s0 =	simm.s32 @p1 $0x1  }
0x15: {  	[smem:$0x3FB8] =	sst s0;
	s0 =	simm.s32 @!p2 $0x0  }
0x16: {  	s3 =	sld [smem:$0x3FDB];
	s0 =	simm.s32 @p2 $0x1  }
0x17: {  	s4 =	simm.s32 $0x1BF5;
	[smem:$0x3FBA] =	sst s0  }
0x18: {  	s0 =	sld [smem:$0x3F9D];
	_ =	swait.ge [sflag:s4], $0x0  }
0x19: {  	s7 =	sld [smem:$0x3F9E]  }
0x1a: {  	s8 =	sadd.s32 $0xFFFFE003, lr  }
0x1b: {  	s9 =	sadd.s32 $0xFFFFFEF7, lr;
	s5 =	simm.s32 $0xFFFFFFFF;
	p2 =	slt.u32 s8, $0xFFFFF086  }
0x1c: {  	p1 =	slt.u32 s9, $0xF7A;
	s5 =	simm.s32 @!p2 $0x0  }
0x1d: {  	s5 =	simm.s32 @p1 $0x1;
	p0 =	seq.s32 s7, s2  }
0x1e: {  	s7 =	smul.u32 @!p0 $0xF7A, s2;
	p2 =	seq.s32 @!p0 s5, $0x0  }
0x1f: {  	s9 =	smul.u32 $0xF7A, s1;
	s8 =	simm.s32 @!p0 $0x1BF5;
	p2 =	por !p2, p0  }
0x20: {  	[sflag:s8] =	ssyncset.s32 @!p0 $0xFFFFF086;
	s6 =	sadd.s32 @!p0 s3, s7;
	s7 =	simm.s32 @!p0 $0x108  }
0x21: {  	s3 =	sadd.s32 s3, s9;
	s6 =	sadd.s32 @!p0 $0x88, s6;
	s7 =	simm.s32 @p2 $0x1082  }
0x22: {  	[simem:s7], [sflag:s8] =	dma.local @!p0 [hbm:s6], $0xF7A  }
0x23: {  	s9 =	sor.u32 $0xD0000000, s2;
	s6 =	simm.s32 $0x108;
	_ =	swait.ge @!p0 [sflag:s8], $0x0  }
0x24: {  	s3 =	sadd.s32 $0x88, s3;
	s6 =	simm.s32 @!p1 $0x1082;
	[sflag:s4] =	ssyncset.s32 $0xFFFFF086  }
0x25: {  	[simem:s6], [sflag:s4] =	dma.local [hbm:s3], $0xF7A  }
0x26: {  	[smem:$0x3F9E] =	sst s1;
	(tag) =	ssettag s2;
	_ =	strace s9  }
0x27: {  	s1 =	sld [smem:$0x3FAE]  }
0x28: {  	s2 =	sld [smem:$0x3FAF]  }
0x29: {  	s4 =	sld [smem:$0x3FB1]  }
0x2a: {  	p0 =	seq.s32 s5, $0x0;
	s5 =	sld [smem:$0x3FB2]  }
0x2b: {  	s6 =	sld [smem:$0x3FB3]  }
0x2c: {  	s7 =	sld [smem:$0x3FB4]  }
0x2d: {  	s3 =	simm.s32 $0x108;
	s8 =	sld [smem:$0x3FB5]  }
0x2e: {  	s3 =	simm.s32 @!p0 $0x1082;
	s9 =	sld [smem:$0x3FB6]  }
0x2f: {  	lr =	sadd.s32 s0, s3;
	s0 =	sld [smem:$0x3FAD]  }
0x30: {  	s3 =	sld [smem:$0x3FB0]  }
0x31: {  	[smem:$0x3FB9] =	sst s10  }
0x32: {  	s10 =	sld [smem:$0x3FB7];
	_ =	sdelay $0x3  }
0x33: {  	p0 =	seq.s32 s10, $0x1;
	s10 =	sld [smem:$0x3FB9];
	_ =	sdelay $0x3  }
0x34: {  	[smem:$0x3FB9] =	sst s10  }
0x35: {  	s10 =	sld [smem:$0x3FB8];
	_ =	sdelay $0x3  }
0x36: {  	p1 =	seq.s32 s10, $0x1;
	s10 =	sld [smem:$0x3FB9];
	_ =	sdelay $0x3  }
0x37: {  	[smem:$0x3FB9] =	sst s10  }
0x38: {  	s10 =	sld [smem:$0x3FBA]  }
0x39: {  	_ = 	snop;
	(pc) =	sbr.ind lr, $3  }
0x3a: {  	_ = 	snop  }
0x3b: {  	_ = 	snop  }
0x3c: {  	p2 =	seq.s32 s10, $0x1;
	s10 =	sld [smem:$0x3FB9]  }
0x3d: {  	_ =	shalt  }
0x3e: {  	_ =	shalt  }
0x3f: {  	_ =	shalt  }
0x40: {  	_ =	shalt  }
0x41: {  	_ =	shalt  }
0x42: {  	_ =	shalt  }
0x43: {  	_ =	shalt  }
0x44: {  	_ =	shalt  }
0x45: {  	_ =	shalt  }
0x46: {  	_ =	shalt  }
0x47: {  	_ =	shalt  }
0x48: {  	_ =	shalt  }
0x49: {  	_ =	shalt  }
0x4a: {  	_ =	shalt  }
0x4b: {  	_ =	shalt  }
0x4c: {  	_ =	shalt  }
0x4d: {  	_ =	shalt  }
0x4e: {  	_ =	shalt  }
0x4f: {  	_ =	shalt  }
0x50: {  	_ =	shalt  }
0x51: {  	_ =	shalt  }
0x52: {  	_ =	shalt  }
0x53: {  	_ =	shalt  }
0x54: {  	_ =	shalt  }
0x55: {  	_ =	shalt  }
0x56: {  	_ =	shalt  }
0x57: {  	_ =	shalt  }
0x58: {  	_ =	shalt  }
0x59: {  	_ =	shalt  }
0x5a: {  	_ =	shalt  }
0x5b: {  	_ =	shalt  }
0x5c: {  	_ =	shalt  }
0x5d: {  	_ =	shalt  }
0x5e: {  	_ =	shalt  }
0x5f: {  	_ =	shalt  }
0x60: {  	_ =	shalt  }
0x61: {  	_ =	shalt  }
0x62: {  	_ =	shalt  }
0x63: {  	_ =	shalt  }
0x64: {  	_ =	shalt  }
0x65: {  	_ =	shalt  }
0x66: {  	_ =	shalt  }
0x67: {  	_ =	shalt  }
0x68: {  	_ =	shalt  }
0x69: {  	_ =	shalt  }
0x6a: {  	_ =	shalt  }
0x6b: {  	_ =	shalt  }
0x6c: {  	_ =	shalt  }
0x6d: {  	_ =	shalt  }
0x6e: {  	_ =	shalt  }
0x6f: {  	_ =	shalt  }
0x70: {  	_ =	shalt  }
0x71: {  	_ =	shalt  }
0x72: {  	_ =	shalt  }
0x73: {  	_ =	shalt  }
0x74: {  	_ =	shalt  }
0x75: {  	_ =	shalt  }
0x76: {  	_ =	shalt  }
0x77: {  	_ =	shalt  }
0x78: {  	_ =	shalt  }
0x79: {  	_ =	shalt  }
0x7a: {  	_ =	shalt  }
0x7b: {  	_ =	shalt  }
0x7c: {  	_ =	shalt  }
0x7d: {  	_ =	shalt  }
0x7e: {  	_ =	shalt  }
0x7f: {  	_ =	shalt  }
0x80: {  	_ =	shalt  }
0x81: {  	_ =	shalt  }
0x82: {  	_ =	shalt  }
0x83: {  	_ =	shalt  }
0x84: {  	_ =	shalt  }
0x85: {  	_ =	shalt  }
0x86: {  	_ =	shalt  }
0x87: {  	_ =	shalt  }
.Lfunc_end0:
.L_simem_size_0:
called_computation.1_lowered:
.L_overlay_start_0:
0x88: {  	s2 =	sld [smem:$0x3FD9]  }
0x89: {  	s3 =	sld [smem:$0x3FFE];
	_ =	sdelay $0x1  }
0x8a: {  	s1 =	srdreg.scid  }
0x8b: {  	s0 =	sand.u32 $0x1, s1  }
0x8c: {  	s17 =	sshll.u32 s0, $0xA;
	s2 =	sadd.s32 s3, s2  }
0x8d: {  	s2 =	sadd.s32 s2, s17  }
0x8e: {  	[smem:$0x3FC5] =	sst s2  }
0x8f: {  	_ = 	snop  }
0x90: {  	s2 =	sld [smem:$0x3FD0];
	(tm) =	ssettm $0x1  }
0x91: {  	s18 =	sld [smem:$0x3FFB];
	_ =	sdelay $0x3  }
0x92: {  	_ =	strace s18  }
0x93: {  	s3 =	sld [smem:$0x3FFC];
	_ =	sdelay $0x3  }
0x94: {  	_ =	strace s3  }
0x95: {  	s3 =	sld [smem:$0x3FFD];
	_ =	sdelay $0x3  }
0x96: {  	_ =	strace s3  }
0x97: {  	_ =	strace $0x8FFFFFFF  }
0x98: {  	s19 =	sld [smem:$0x3FDB];
	_ =	sdelay $0x1  }
0x99: {  	s4 =	simm.s32 $_scs_section_size  }
0x9a: {  	s5 =	simm.s32 $_size__tile_overlayer_lowered;
	s6 =	simm.s32 $_tile_overlayer_lowered  }
0x9b: {  	s22 =	simm.s32 $0x1BFF;
	s21 =	sshll.u32 s6, $0x1;
	s3 =	sadd.s32 s4, s19  }
0x9c: {  	s7 =	simm.s32 $0x0;
	s20 =	sshll.u32 s5, $0x1;
	s5 =	sadd.s32 s21, s3  }
0x9d: {  	[timem:s7], [sflag:s22] =	dma.local [hbm:s5], s20  }
0x9e: {  	_ =	swait.ge [sflag:s22], s20  }
0x9f: {  	s4 =	ssub.s32 $0x0, s20;
	[sflag:s22] =	ssyncset.done $0x0  }
0xa0: {  	[sflag:s22] =	ssyncadd.s32 s4;
	_ =	sdelay $0x1  }
0xa1: {  	s23 =	simm.s32 $0x1B8B  }
0xa2: {  	_ =	swait.ge [sflag:s23], $0x1  }
0xa3: {  	[sflag:s23] =	ssyncset.done $0x0  }
0xa4: {  	s25 =	simm.s32 $0x1B8E;
	s24 =	sld [smem:$0x3FFE];
	[sflag:s23] =	ssyncadd.s32 $0xFFFFFFFF  }
0xa5: {  	s26 =	simm.s32 $execute0_lowered;
	[smem:$0x3FD2] =	sst s25  }
0xa6: {  	s5 =	sshll.u32 s26, $0x1;
	_ =	strace $0x80000049;
	[dreg:$0x1] =	wrdreg $0xFFFFFFFF  }
0xa7: {  	s28 =	simm.s32 $_size_execute0_lowered;
	s3 =	sadd.s32 s3, s5;
	[dreg:$0x0] =	wrdreg $0x0  }
0xa8: {  	s5 =	sshll.u32 s28, $0x1;
	[dreg:$0x2] =	wrdreg s3  }
0xa9: {  	[dreg:$0x3] =	wrdreg s5  }
0xaa: {  	[dreg:$0x4] =	wrdreg $0xC0  }
0xab: {  	_ =	task [dreg:s7], $0x5FFFF  }
0xac: {  	[dreg:$0x1] =	wrdreg $0xFFFFFFFF  }
0xad: {  	[dreg:$0x0] =	wrdreg $0x60  }
0xae: {  	[dreg:$0x2] =	wrdreg s24  }
0xaf: {  	[dreg:$0x3] =	wrdreg s2  }
0xb0: {  	[dreg:$0x4] =	wrdreg $0x0  }
0xb1: {  	[dreg:$0x5] =	wrdreg $0x2000  }
0xb2: {  	[dreg:$0x6] =	wrdreg $0x9  }
0xb3: {  	_ =	task.clear_ibuf [dreg:s7], $0x7FFFF;
	_ =	strace $0x90000049  }
0xb4: {  	s29 =	simm.s32 $0x9;
	_ =	strace $0x8000004B  }
0xb5: {  	_ =	swait.ge [sflag:s29], $0x1  }
0xb6: {  	[sflag:s29] =	ssyncadd.s32 $0xFFFFFFFF  }
0xb7: {  	_ =	strace $0x9000004B  }
0xb8: {  	_ =	sfence  }
0xb9: {  	s30 =	sld [smem:$0x0];
	_ =	sdelay $0x2  }
0xba: {  	s31 =	sshll.u32 s1, $0xD;
	s1 =	sshrl.u32 s1, $0x2  }
0xbb: {  	s3 =	sand.u32 $0x4000, s31;
	s1 =	sadd.s32 s1, s30  }
0xbc: {  	s0 =	sor.u32 s3, s0;
	s1 =	sshll.u32 s1, $0x11  }
0xbd: {  	s0 =	sor.u32 s1, s0  }
0xbe: {  	s0 =	sadd.s32 $0x8F2B, s0  }
0xbf: {  	[sflag:s0] =	ssyncadd.remote.s32 $0x1  }
0xc0: {  	_ =	sfence.sel $0xFFFF  }
0xc1: {  	[dreg:$0x0] =	wrdreg $0xFFFFFFFF;
	(pc) =	sbr.abs _section_cstart, $3  }
0xc2: {  	[dreg:$0x1] =	wrdreg $0xFFFFFFFF  }
0xc3: {  	_ =	task.clear_ibuf [dreg:s7], $0x2FFFF;
	_ =	strace $0x9FFFFFFF  }
0xc4: {  	(tm) =	ssettm $0x7FFFFFFF  }
0xc5: {  	_ =	shalt  }
tec
execute0_lowered:
.L_overlay_start_1:
0x0: {  	(tag) =	ssettag $0x1  }
0x1: {  	s0 =	rddreg [dreg:$0x0]  }
0x2: {  	s1 =	rddreg [dreg:$0x1]  }
0x3: {  	s5 =	rddreg [dreg:$0x2]  }
0x4: {  	s8 =	rddreg [dreg:$0x3]  }
0x5: {  	s3 =	srdreg.scid;
	s13 =	stileid.u32  }
0x6: {  	s2 =	simm.s32 $0x0;
	s19 =	simm.s32 $0x1;
	s20 =	simm.s32 $0x80  }
0x7: {  	s21 =	simm.s32 $0x10;
	s22 =	simm.s32 $0x3;
	s31 =	simm.s32 $0x2  }
0x8: {  	s6 =	sand.u32 $0x1, s3;
	s26 =	sshll.u32 s13, $0x1;
	[smem:$0x7FF] =	sst s2  }
0x9: {  	s3 =	sadd.s32 $0x41C00, s0;
	s4 =	sadd.s32 $0x1C8600, s0;
	s11 =	sshll.u32 s13, $0x9  }
0xa: {  	s12 =	sshll.u32 s13, $0x7;
	s30 =	sshll.u32 s13, $0x6;
	s7 =	sor.u32 s6, s26  }
0xb: {  	_ =	strace $0x8000004A;
	s6 =	ssub.s32 $0x2, s6;
	s11 =	sand.u32 $0x1000, s11  }
0xc: {  	s12 =	sand.u32 $0x380, s12;
	s9 =	sshll.u32 s7, $0x6;
	s7 =	sshll.u32 s7, $0x4  }
0xd: {  	s28 =	sshrl.u32 s6, $0x1;
	s11 =	sor.u32 s12, s11;
	s10 =	sadd.s32 s9, s0  }
0xe: {  	s0 =	sadd.s32 s7, s0;
	s29 =	ssub.s32 s6, s28;
	s5 =	sadd.s32 s11, s5  }
0xf: {  	s6 =	sadd.s32 s1, s9;
	s7 =	sor.u32 $0x1C03, s30;
	s8 =	sadd.s32 s11, s8  }
0x10: {  	s1 =	simm.s32 $0x0;
	s9 =	sadd.s32 $0x41400, s10;
	s10 =	sadd.s32 $0x2400, s0  }
0x11: {  	s11 =	smax.u32 s29, $0x1;
	s12 =	sadd.s32 $0x400, s5;
	s13 =	sadd.s32 $0x800, s5  }
0x12: {  	s14 =	sadd.s32 $0xC00, s5;
	s15 =	sadd.s32 $0x400, s8;
	s16 =	sadd.s32 $0x800, s8  }
0x13: {  	s17 =	sadd.s32 $0xC00, s8;
	s18 =	sshrl.u32 s5, $0x3;
	s23 =	sshrl.u32 s8, $0x3  }
.LBB2_1:
0x14: {  	[spmem:s18@s20], [sflag:s7] =	dma.strided [hbm:s6@s21], $0x40, s19, $0x10   }
0x15: {  	_ =	swait.ge [sflag:s22], $0x40  }
0x16: {  	[sflag:s22] =	ssyncset.done $0x0  }
0x17: {  	[sflag:s22] =	ssyncadd.s32 $0xFFFFFFC0  }
0x18: {  	[spmem:s23@s20], [sflag:s7] =	dma.strided [hbm:s9@s21], $0x40, s19, $0x10   }
0x19: {  	_ =	swait.ge [sflag:s22], $0x40  }
0x1a: {  	[sflag:s22] =	ssyncset.done $0x0  }
0x1b: {  	[sflag:s22] =	ssyncadd.s32 $0xFFFFFFC0  }
0x1c: {  	[smem:s2], [sflag:$0x3] =	stream.linear.gather [spmem:s5], $0x80, $0x38;
	[tilespmem:$0x10480] =	vst v63  }
0x1d: {  	_ = 	snop  }
0x1e: {  	[smem:s20], [sflag:$0x3] =	stream.linear.gather [spmem:s12], $0x80, $0x38;
	[tilespmem:$0x10480] =	vst v63  }
0x1f: {  	s0 =	simm.s32 $0x100  }
0x20: {  	[smem:s0], [sflag:$0x3] =	stream.linear.gather [spmem:s13], $0x80, $0x38;
	[tilespmem:$0x10480] =	vst v63  }
0x21: {  	s25 =	simm.s32 $0x180  }
0x22: {  	[smem:s25], [sflag:$0x3] =	stream.linear.gather [spmem:s14], $0x80, $0x38;
	[tilespmem:$0x10480] =	vst v63  }
0x23: {  	_ =	swait.ge [sflag:s22], $0x200  }
0x24: {  	[sflag:s22] =	ssyncset.done $0x0  }
0x25: {  	s26 =	simm.s32 $0x200;
	[sflag:s22] =	ssyncadd.s32 $0xFFFFFE00  }
0x26: {  	[smem:s26], [sflag:$0x3] =	stream.linear.gather [spmem:s8], $0x80, $0x38;
	[tilespmem:$0x10480] =	vst v63  }
0x27: {  	s24 =	simm.s32 $0x280  }
0x28: {  	[smem:s24], [sflag:$0x3] =	stream.linear.gather [spmem:s15], $0x80, $0x38;
	[tilespmem:$0x10480] =	vst v63  }
0x29: {  	s25 =	simm.s32 $0x300  }
0x2a: {  	[smem:s25], [sflag:$0x3] =	stream.linear.gather [spmem:s16], $0x80, $0x38;
	[tilespmem:$0x10480] =	vst v63  }
0x2b: {  	s26 =	simm.s32 $0x380  }
0x2c: {  	[smem:s26], [sflag:$0x3] =	stream.linear.gather [spmem:s17], $0x80, $0x38;
	[tilespmem:$0x10480] =	vst v63  }
0x2d: {  	_ =	swait.ge [sflag:s22], $0x200  }
0x2e: {  	[sflag:s22] =	ssyncset.done $0x0  }
0x2f: {  	[sflag:s22] =	ssyncadd.s32 $0xFFFFFE00  }
0x30: {  	s24 =	sld [smem:$0x0];
	_ =	sdelay $0x1  }
0x31: {  	s26 =	sld [smem:$0x200]  }
0x32: {  	s24 =	sshll.u32 s24, $0x4  }
0x33: {  	s28 =	simm.s32 $0x1;
	s25 =	simm.s32 $0x400;
	s24 =	sand.u32 $0x1FFFFFF0, s24  }
0x34: {  	s30 =	sshll.u32 s26, $0x4;
	s26 =	simm.s32 $0x8;
	s24 =	sadd.s32 s3, s24  }
0x35: {  	[tilespmem:s25], [sflag:$0x1] =	stream.linear.gather [hbm4b:s24+s2], $0x80, $0x38;
	[tilespmem:$0x10480] =	vst v63  }
0x36: {  	s30 =	sand.u32 $0x1FFFFFF0, s30;
	s24 =	simm.s32 $0x8400;
	s29 =	sld [smem:$0x1]  }
.LBB2_2:
0x37: {  	p0 =	sne.s32 s26, $0x3FC;
	s0 =	sld [smem:s28+$0x200];
	s28 =	sadd.s32 s4, s30  }
0x38: {  	[tilespmem:s24], [sflag:$0x2] =	stream.linear.gather [hbm4b:s28+s2], $0x80, $0x38;
	[tilespmem:$0x10480] =	vst v63  }
.Ltmp0:
0x39: {  	s28 =	sshll.u32 s29, $0x4;
	(pc) =	sbr.rel @p0 .LBB2_2-.Ltmp0, $4  }
0x3a: {  	s25 =	sadd.s32 $0x80, s25;
	s24 =	sadd.s32 $0x80, s24;
	s29 =	sand.u32 $0x1FFFFFF0, s28  }
0x3b: {  	s28 =	sshra.s32 s26, $0x2;
	s0 =	sshll.u32 s0, $0x4;
	s29 =	sadd.s32 s3, s29  }
0x3c: {  	[tilespmem:s25], [sflag:$0x1] =	stream.linear.gather [hbm4b:s29+s2], $0x80, $0x38;
	[tilespmem:$0x10480] =	vst v63  }
0x3d: {  	s26 =	sadd.s32 $0x4, s26;
	s30 =	sand.u32 $0x1FFFFFF0, s0;
	s29 =	sld [smem:s28+$0x0]  }
0x3e: {  	s0 =	sld [smem:s28+$0x200];
	s26 =	sadd.s32 s4, s30  }
0x3f: {  	[tilespmem:s24], [sflag:$0x2] =	stream.linear.gather [hbm4b:s26+s2], $0x80, $0x38;
	[tilespmem:$0x10480] =	vst v63  }
0x40: {  	s28 =	sshll.u32 s29, $0x4  }
0x41: {  	s26 =	sand.u32 $0x1FFFFFF0, s28;
	s0 =	sshll.u32 s0, $0x4  }
0x42: {  	s25 =	sadd.s32 $0x80, s25;
	s26 =	sadd.s32 s3, s26;
	s0 =	sand.u32 $0x1FFFFFF0, s0  }
0x43: {  	[tilespmem:s25], [sflag:$0x1] =	stream.linear.gather [hbm4b:s26+s2], $0x80, $0x38;
	[tilespmem:$0x10480] =	vst v63  }
0x44: {  	s29 =	sadd.s32 $0x80, s24;
	s0 =	sadd.s32 s4, s0  }
0x45: {  	[tilespmem:s29], [sflag:$0x2] =	stream.linear.gather [hbm4b:s0+s2], $0x80, $0x38;
	[tilespmem:$0x10480] =	vst v63  }
0x46: {  	_ =	swait.ge [sflag:s19], $0x8000  }
0x47: {  	[sflag:s19] =	ssyncset.done $0x0  }
0x48: {  	[sflag:s19] =	ssyncadd.s32 $0xFFFF8000  }
0x49: {  	_ =	swait.ge [sflag:s31], $0x8000  }
0x4a: {  	[sflag:s31] =	ssyncset.done $0x0  }
0x4b: {  	s30 =	simm.s32 $0x0;
	[sflag:s31] =	ssyncadd.s32 $0xFFFF8000  }
0x4c: {  	v0 =	vld [tilespmem:s30+$0x430]  }
0x4d: {  	v1 =	vld [tilespmem:s30+$0x8430]  }
0x4e: {  	v5 =	vld [tilespmem:s30+$0x400]  }
0x4f: {  	v6 =	vld [tilespmem:s30+$0x8400];
	_ =	sdelay $0x1  }
0x50: {  	v4 =	vld [tilespmem:s30+$0x410]  }
0x51: {  	v7 =	vld [tilespmem:s30+$0x8410]  }
0x52: {  	v3 =	vld [tilespmem:s30+$0x420];
	v0 =	vmul.f32 v1, v0  }
0x53: {  	v2 =	vimm.f32 $0.0e+00;
	s24 =	simm.s32 $0x80;
	v8 =	vld [tilespmem:s30+$0x8420];
	v9 =	vmul.f32 v6, v5  }
0x54: {  	s25 =	simm.s32 $0x400;
	v6 =	vld [tilespmem:s24+$0x430];
	v5 =	vimm.f32 $0.0e+00;
	v1 =	vimm.f32 $0.0e+00;
	v0 =	vadd.f32 v0, v2  }
.LBB2_4:
0x55: {  	p0 =	sne.s32 s25, $0x1FE00;
	v10 =	vld [tilespmem:s24+$0x8430]  }
0x56: {  	v11 =	vld [tilespmem:s24+$0x400];
	v2 =	vadd.f32 v9, v2;
	v7 =	vmul.f32 v7, v4  }
0x57: {  	v9 =	vld [tilespmem:s24+$0x8400]  }
.Ltmp1:
0x58: {  	v4 =	vld [tilespmem:s24+$0x410];
	v5 =	vadd.f32 v7, v5;
	v8 =	vmul.f32 v8, v3;
	(pc) =	sbr.rel @p0 .LBB2_4-.Ltmp1, $4  }
0x59: {  	v7 =	vld [tilespmem:s24+$0x8410]  }
0x5a: {  	v3 =	vld [tilespmem:s24+$0x420];
	v10 =	vmul.f32 v10, v6;
	v1 =	vadd.f32 v8, v1  }
0x5b: {  	v8 =	vld [tilespmem:s24+$0x8420];
	s24 =	sshra.s32 s25, $0x2  }
0x5c: {  	s25 =	sadd.s32 $0x200, s25;
	v6 =	vld [tilespmem:s24+$0x430];
	v9 =	vmul.f32 v9, v11;
	v0 =	vadd.f32 v10, v0  }
0x5d: {  	v10 =	vld [tilespmem:s24+$0x8430]  }
0x5e: {  	v11 =	vld [tilespmem:s24+$0x400]  }
0x5f: {  	v12 =	vld [tilespmem:s24+$0x8400]  }
0x60: {  	v13 =	vld [tilespmem:s24+$0x410]  }
0x61: {  	v14 =	vld [tilespmem:s24+$0x8410]  }
0x62: {  	v15 =	vld [tilespmem:s24+$0x420]  }
0x63: {  	v16 =	vld [tilespmem:s24+$0x8420];
	s0 =	sld [smem:$0x100];
	_ =	sdelay $0x2  }
0x64: {  	v4 =	vmul.f32 v7, v4;
	s0 =	sshll.u32 s0, $0x4  }
0x65: {  	v2 =	vadd.f32 v9, v2;
	s26 =	sld [smem:$0x300];
	v3 =	vmul.f32 v8, v3;
	s0 =	sand.u32 $0x1FFFFFF0, s0  }
0x66: {  	s24 =	simm.s32 $0x400;
	v4 =	vadd.f32 v4, v5;
	v5 =	vmul.f32 v10, v6;
	v61 =	vmul.f32 v12, v11;
	s0 =	sadd.s32 s3, s0  }
0x67: {  	v1 =	vadd.f32 v3, v1;
	v62 =	vmul.f32 v14, v13;
	v63 =	vmul.f32 v16, v15;
	[tilespmem:s24], [sflag:$0x1] =	stream.linear.gather [hbm4b:s0+s2], $0x80, $0x38;
	[tilespmem:$0x10480] =	vst v63  }
0x68: {  	s25 =	simm.s32 $0x8400;
	s28 =	simm.s32 $0x1;
	s0 =	sshll.u32 s26, $0x4;
	v3 =	vadd.f32 v5, v0;
	v0 =	vadd.f32 v61, v2  }
0x69: {  	s26 =	simm.s32 $0x8;
	v2 =	vadd.f32 v62, v4;
	v1 =	vadd.f32 v63, v1;
	s29 =	sld [smem:$0x101];
	s30 =	sand.u32 $0x1FFFFFF0, s0  }
.LBB2_6:
0x6a: {  	p0 =	sne.s32 s26, $0x3FC;
	s0 =	sld [smem:s28+$0x300];
	s28 =	sadd.s32 s4, s30  }
0x6b: {  	[tilespmem:s25], [sflag:$0x2] =	stream.linear.gather [hbm4b:s28+s2], $0x80, $0x38;
	[tilespmem:$0x10480] =	vst v63  }
.Ltmp2:
0x6c: {  	s28 =	sshll.u32 s29, $0x4;
	(pc) =	sbr.rel @p0 .LBB2_6-.Ltmp2, $4  }
0x6d: {  	s24 =	sadd.s32 $0x80, s24;
	s25 =	sadd.s32 $0x80, s25;
	s29 =	sand.u32 $0x1FFFFFF0, s28  }
0x6e: {  	s28 =	sshra.s32 s26, $0x2;
	s0 =	sshll.u32 s0, $0x4;
	s29 =	sadd.s32 s3, s29  }
0x6f: {  	[tilespmem:s24], [sflag:$0x1] =	stream.linear.gather [hbm4b:s29+s2], $0x80, $0x38;
	[tilespmem:$0x10480] =	vst v63  }
0x70: {  	s26 =	sadd.s32 $0x4, s26;
	s30 =	sand.u32 $0x1FFFFFF0, s0;
	s29 =	sld [smem:s28+$0x100]  }
0x71: {  	s0 =	sld [smem:s28+$0x300];
	s26 =	sadd.s32 s4, s30  }
0x72: {  	[tilespmem:s25], [sflag:$0x2] =	stream.linear.gather [hbm4b:s26+s2], $0x80, $0x38;
	[tilespmem:$0x10480] =	vst v63  }
0x73: {  	s28 =	sshll.u32 s29, $0x4  }
0x74: {  	s26 =	sand.u32 $0x1FFFFFF0, s28;
	s0 =	sshll.u32 s0, $0x4  }
0x75: {  	s24 =	sadd.s32 $0x80, s24;
	s26 =	sadd.s32 s3, s26;
	s0 =	sand.u32 $0x1FFFFFF0, s0  }
0x76: {  	[tilespmem:s24], [sflag:$0x1] =	stream.linear.gather [hbm4b:s26+s2], $0x80, $0x38;
	[tilespmem:$0x10480] =	vst v63  }
0x77: {  	s29 =	sadd.s32 $0x80, s25;
	s0 =	sadd.s32 s4, s0  }
0x78: {  	[tilespmem:s29], [sflag:$0x2] =	stream.linear.gather [hbm4b:s0+s2], $0x80, $0x38;
	[tilespmem:$0x10480] =	vst v63  }
0x79: {  	_ =	swait.ge [sflag:s19], $0x8000  }
0x7a: {  	[sflag:s19] =	ssyncset.done $0x0  }
0x7b: {  	[sflag:s19] =	ssyncadd.s32 $0xFFFF8000  }
0x7c: {  	_ =	swait.ge [sflag:s31], $0x8000  }
0x7d: {  	[sflag:s31] =	ssyncset.done $0x0  }
0x7e: {  	s30 =	simm.s32 $0x0;
	[sflag:s31] =	ssyncadd.s32 $0xFFFF8000  }
0x7f: {  	v6 =	vld [tilespmem:s30+$0x430]  }
0x80: {  	v8 =	vld [tilespmem:s30+$0x8430]  }
0x81: {  	v9 =	vld [tilespmem:s30+$0x400]  }
0x82: {  	v10 =	vld [tilespmem:s30+$0x8400]  }
0x83: {  	v4 =	vld [tilespmem:s30+$0x410]  }
0x84: {  	v7 =	vld [tilespmem:s30+$0x8410]  }
0x85: {  	v5 =	vld [tilespmem:s30+$0x420];
	v11 =	vmul.f32 v8, v6  }
0x86: {  	s24 =	simm.s32 $0x80;
	v8 =	vld [tilespmem:s30+$0x8420]  }
0x87: {  	s25 =	simm.s32 $0x400;
	v6 =	vld [tilespmem:s24+$0x430];
	v9 =	vmul.f32 v10, v9;
	v3 =	vadd.f32 v11, v3  }
.LBB2_8:
0x88: {  	p0 =	sne.s32 s25, $0x1FE00;
	v10 =	vld [tilespmem:s24+$0x8430]  }
0x89: {  	v11 =	vld [tilespmem:s24+$0x400];
	v0 =	vadd.f32 v9, v0;
	v7 =	vmul.f32 v7, v4  }
0x8a: {  	v9 =	vld [tilespmem:s24+$0x8400]  }
.Ltmp3:
0x8b: {  	v4 =	vld [tilespmem:s24+$0x410];
	v2 =	vadd.f32 v7, v2;
	v8 =	vmul.f32 v8, v5;
	(pc) =	sbr.rel @p0 .LBB2_8-.Ltmp3, $4  }
0x8c: {  	v7 =	vld [tilespmem:s24+$0x8410]  }
0x8d: {  	v5 =	vld [tilespmem:s24+$0x420];
	v10 =	vmul.f32 v10, v6;
	v1 =	vadd.f32 v8, v1  }
0x8e: {  	v8 =	vld [tilespmem:s24+$0x8420];
	s24 =	sshra.s32 s25, $0x2  }
0x8f: {  	s25 =	sadd.s32 $0x200, s25;
	v6 =	vld [tilespmem:s24+$0x430];
	v9 =	vmul.f32 v9, v11;
	v3 =	vadd.f32 v10, v3  }
0x90: {  	v10 =	vld [tilespmem:s24+$0x8430]  }
0x91: {  	v11 =	vld [tilespmem:s24+$0x400]  }
0x92: {  	v12 =	vld [tilespmem:s24+$0x8400]  }
0x93: {  	v13 =	vld [tilespmem:s24+$0x410]  }
0x94: {  	v14 =	vld [tilespmem:s24+$0x8410]  }
0x95: {  	v15 =	vld [tilespmem:s24+$0x420]  }
0x96: {  	v16 =	vld [tilespmem:s24+$0x8420];
	_ =	sdelay $0x1  }
0x97: {  	v4 =	vmul.f32 v7, v4  }
0x98: {  	v0 =	vadd.f32 v9, v0;
	v5 =	vmul.f32 v8, v5  }
0x99: {  	v2 =	vadd.f32 v4, v2;
	v60 =	vmul.f32 v10, v6;
	v61 =	vmul.f32 v12, v11  }
0x9a: {  	v1 =	vadd.f32 v5, v1;
	v62 =	vmul.f32 v14, v13;
	v63 =	vmul.f32 v16, v15  }
0x9b: {  	v3 =	vadd.f32 v60, v3;
	v0 =	vadd.f32 v61, v0  }
0x9c: {  	v2 =	vadd.f32 v62, v2;
	v1 =	vadd.f32 v63, v1;
	_ =	sdelay $0x1  }
0x9d: {  	v0 =	vadd.f32 v2, v0;
	v1 =	vadd.f32 v3, v1;
	_ =	sdelay $0x1  }
0x9e: {  	s1 =	sadd.s32 $0x1, s1;
	v0 =	vadd.f32 v1, v0  }
0x9f: {  	p0 =	sne.s32 s1, s11  }
.Ltmp4:
0xa0: {  	s0 =	simm.s32 $0x10400;
	[tilespmem:$0x10400] =	vst v0;
	(pc) =	sbr.rel @p0 .LBB2_1-.Ltmp4, $4  }
0xa1: {  	[hbm4b:s10+s2] =	stream.linear.scatter [tilespmem:s0], [sflag:$0x3], $0x80, $0x38;
	[tilespmem:$0x10480] =	vst v63  }
0xa2: {  	_ =	swait.ge [sflag:s22], $0x80  }
0xa3: {  	[sflag:s22] =	ssyncset.done $0x0  }
0xa4: {  	[sflag:s22] =	ssyncadd.s32 $0xFFFFFF80  }
0xa5: {  	_ =	sfence.sel $0x180000  }
0xa6: {  	[bflag:$0x0] =	sbarrier.arrive $0xFFFF  }
0xa7: {  	_ =	strace $0x9000004A  }
0xa8: {  	s0 =	stileid.u32;
	[bflag:$0x2] =	sbarrier.arrive $0xFFFF  }
0xa9: {  	p0 =	sne.s32 s0, $0x0;
	s0 =	rddreg [dreg:$0x4]  }
0xaa: {  	s0 =	sadd.s32 @!p0 $0x100000, s0  }
0xab: {  	[sflag:s0] =	ssyncadd.tile.s32 @!p0 $0x1;
	_ =	shalt  }
.Lfunc_end2:
_tile_overlayer_lowered:
.L_overlay_start_2:
0xac: {  	(tag) =	ssettag $0x2  }
0xad: {  	s0 =	rddreg [dreg:$0x0];
	s2 =	stileid.u32  }
0xae: {  	s1 =	rddreg [dreg:$0x1];
	p0 =	sne.s32 s2, $0x0  }
0xaf: {  	s3 =	rddreg [dreg:$0x2];
	[bflag:$0x3] =	sbarrier.arrive $0xFFFF;
	s2 =	simm.s32 @!p0 $0x1C03  }
0xb0: {  	[timem:s3], [sflag:s2] =	dma.local @!p0 [hbm:s0], s1  }
0xb1: {  	s0 =	simm.s32 @!p0 $0x3  }
0xb2: {  	_ =	swait.ge @!p0 [sflag:s0], s1  }
0xb3: {  	s1 =	ssub.s32 @!p0 $0x0, s1;
	[sflag:s0] =	ssyncset.done @!p0 $0x0  }
0xb4: {  	[sflag:s0] =	ssyncadd.s32 @!p0 s1  }
0xb5: {  	[bflag:$0x3] =	sbarrier.arrive $0xFFFF  }
0xb6: {  	_ =	shalt  }

</sc_bundles>
